<compile_context>
chip_gen: v7x
topology: tpu7x:2x2x1
jax: 0.10.2.dev20260603
libtpu: 0.0.44.dev20260713+nightly
codegen_flags: <defaults>
</compile_context>

<pallas_src>
import functools

import jax
import jax.numpy as jnp
from jax import lax
from jax.experimental import pallas as pl
from jax.experimental.pallas import tpu as pltpu
from jax.experimental.pallas import tpu_sc as plsc

ROWS = 1_000_000
COLS = 64
B = 16384
NC, NS, L = 2, 16, 16
NW = NC * NS
RPW = B // NW
CHUNK = 128
NCH = RPW // CHUNK

_mesh = plsc.VectorSubcoreMesh(core_axis_name="c", subcore_axis_name="s")

_BLK = 2048


def _pad_xpose_body(x_ref, o_ref):
    xt = x_ref[...].T
    o_ref[...] = jnp.concatenate([xt, jnp.zeros_like(xt)], axis=1)


def _tc_pad_xpose(inp_t):
    n = (ROWS + _BLK - 1) // _BLK
    return pl.pallas_call(
        _pad_xpose_body,
        grid=(n,),
        in_specs=[pl.BlockSpec((COLS, _BLK), lambda i: (0, i))],
        out_specs=pl.BlockSpec((_BLK, 128), lambda i: (i, 0)),
        out_shape=jax.ShapeDtypeStruct((ROWS, 128), jnp.float32),
        compiler_params=pltpu.CompilerParams(
            dimension_semantics=("arbitrary",)
        ),
    )(inp_t)


@functools.partial(
    pl.kernel,
    mesh=_mesh,
    out_type=jax.ShapeDtypeStruct((COLS, B), jnp.float32),
    scratch_types=[
        pltpu.VMEM((COLS, RPW), jnp.int32),
        pltpu.VMEM((COLS, RPW), jnp.float32),
        pltpu.SemaphoreType.DMA,
    ],
)
def _sc_gather(inp_flat, idx_t, out_t, idx_v, out_v, sem):
    wid = lax.axis_index("s") * NC + lax.axis_index("c")
    i0 = wid * RPW

    pltpu.sync_copy(idx_t.at[:, pl.ds(i0, RPW)], idx_v)

    def addr_body(j, _):
        for q in range(RPW // L):
            sl = pl.ds(q * L, L)
            idx_v[j, sl] = idx_v[j, sl] * 128 + j
        return 0

    lax.fori_loop(0, COLS, addr_body, 0)

    def _copy(t):
        j = t // NCH
        c = t % NCH
        return pltpu.make_async_copy(
            inp_flat.at[idx_v.at[j, pl.ds(c * CHUNK, CHUNK)]],
            out_v.at[j, pl.ds(c * CHUNK, CHUNK)],
            sem,
        )

    def fire_body(t, _):
        _copy(t).start()
        return 0

    lax.fori_loop(0, COLS * NCH, fire_body, 0)

    def drain_body(t, _):
        _copy(t).wait()
        return 0

    lax.fori_loop(0, COLS * NCH, drain_body, 0)

    pltpu.sync_copy(out_v, out_t.at[:, pl.ds(i0, RPW)])


def kernel(input, index):
    padded = _tc_pad_xpose(input.T)
    flat = padded.reshape(ROWS * 128)
    out_t = _sc_gather(flat, index.T.astype(jnp.int32))
    return out_t.T

# --- scband reference (transcript-rebuilt; emitter-appended) ---
"""Pipeline reference for scband-gather-72954314489972 (READ-ONLY COPY).

The authoritative reference and input builder live on the scoring server;
editing this copy changes nothing except your own understanding.
"""

import jax, jax.numpy as jnp
import numpy as np


def setup_inputs(seed: int = 0) -> dict:
    key = jax.random.key(seed)
    k1, k2 = jax.random.split(key)
    inp = jax.random.normal(k1, (1000000, 64), dtype=jnp.float32)
    index = jax.random.randint(k2, (16384, 64), 0, 1000000)
    return {"input": inp, "index": index}


def reference(input, index):
    # torch.gather(input, dim=0, index) == take_along_axis on axis 0:
    # out[i, j] = input[index[i, j], j]
    return jnp.take_along_axis(input, index, axis=0)

if __name__ == "__main__":
    import jax
    _d = setup_inputs()
    print(jax.jit(kernel)(*tuple(_d.values())))

</pallas_src>

<mosaic_0001>
#map = affine_map<(d0, d1) -> (0)>
#map1 = affine_map<(d0, d1) -> (0, 0)>
module attributes {stable_mosaic.version = 14 : i64} {
  func.func @_sc_gather(%arg0: i32, %arg1: i32, %arg2: memref<128000000xf32, #tpu.memory_space<hbm>>, %arg3: memref<64x16384xi32, #tpu.memory_space<hbm>>, %arg4: memref<64x16384xf32, #tpu.memory_space<hbm>>, %arg5: memref<64x512xi32, #tpu.memory_space<vmem>>, %arg6: memref<64x512xf32, #tpu.memory_space<vmem>>, %arg7: memref<!tpu.dma_semaphore, #tpu.memory_space<semaphore_mem>>) attributes {dimension_semantics = [#tpu.dimension_semantics<core_parallel>, #tpu.dimension_semantics<subcore_parallel>], iteration_bounds = array<i64: 2, 16>, scalar_prefetch = 0 : i64, scratch_operands = 3 : i64, tpu.core_type = #tpu.core_type<sc_vector_subcore>, window_params = [{transform_indices = #map}, {transform_indices = #map1}, {transform_indices = #map1}]} {
    %mul3A = arith.constant 2 : i32
    %mul3A_0 = arith.muli %arg1, %mul3A : i32
    %add3A = arith.addi %mul3A_0, %arg0 : i32
    %mul3A_1 = arith.constant 512 : i32
    %mul3A_2 = arith.muli %add3A, %mul3A_1 : i32
    "tpu.region"() ({
      %run_scoped3A = tpu.sem_alloc : memref<!tpu.dma_semaphore, #tpu.memory_space<semaphore_mem>>
      %dma_start3A = arith.constant 0 : i32
      %dma_start3A_23 = tpu.memref_slice %arg3[%dma_start3A, %mul3A_2] : memref<64x16384xi32, #tpu.memory_space<hbm>> -> memref<64x512xi32, #tpu.memory_space<hbm>>
      %dma_start3A_24 = arith.constant 0 : i32
      %dma_start3A_25 = tpu.memref_slice %arg3[%dma_start3A_24, %mul3A_2] : memref<64x16384xi32, #tpu.memory_space<hbm>> -> memref<64x512xi32, #tpu.memory_space<hbm>>
      tpu.enqueue_dma source(%dma_start3A_25 : memref<64x512xi32, #tpu.memory_space<hbm>>) target(%arg5 : memref<64x512xi32, #tpu.memory_space<vmem>>) target_semaphore(%run_scoped3A : memref<!tpu.dma_semaphore, #tpu.memory_space<semaphore_mem>>)
      %dma_wait3A = arith.constant 0 : i32
      %dma_wait3A_26 = tpu.memref_slice %arg3[%dma_wait3A, %mul3A_2] : memref<64x16384xi32, #tpu.memory_space<hbm>> -> memref<64x512xi32, #tpu.memory_space<hbm>>
      %dma_wait3A_27 = arith.constant 0 : i32
      %dma_wait3A_28 = tpu.memref_slice %arg3[%dma_wait3A_27, %mul3A_2] : memref<64x16384xi32, #tpu.memory_space<hbm>> -> memref<64x512xi32, #tpu.memory_space<hbm>>
      tpu.wait_dma2 semaphore(%run_scoped3A : memref<!tpu.dma_semaphore, #tpu.memory_space<semaphore_mem>>) src(%dma_wait3A_28 : memref<64x512xi32, #tpu.memory_space<hbm>>) dst(%arg5 : memref<64x512xi32, #tpu.memory_space<vmem>>)
      tpu.yield
    }) : () -> ()
    %scan3A = arith.constant 0 : i32
    %scan3A_3 = arith.constant 0 : i32
    %scan3A_4 = arith.constant 64 : i32
    %scan3A_5 = arith.addi %scan3A_3, %scan3A_4 : i32
    %scan3A_6 = arith.constant 1 : i32
    %scan3A_7 = scf.for %scan3A_23 = %scan3A_3 to %scan3A_5 step %scan3A_6 iter_args(%scan3A_24 = %scan3A) -> (i32)  : i32 {
      %get3A = arith.index_cast %scan3A_23 : i32 to index
      %get3A_25 = arith.constant 0 : index
      %get3A_26 = tpu.vector_load %arg5[%get3A, %get3A_25] {strides = array<i32>} : memref<64x512xi32, #tpu.memory_space<vmem>>, vector<1x16xi32>,
      %get3A_27 = vector.shape_cast %get3A_26 : vector<1x16xi32> to vector<16xi32>
      %mul3A_28 = arith.constant 128 : i32
      %mul3A_29 = vector.broadcast %mul3A_28 : i32 to vector<16xi32>
      %mul3A_30 = arith.muli %get3A_27, %mul3A_29 : vector<16xi32>
      %add3A_31 = vector.broadcast %scan3A_23 : i32 to vector<16xi32>
      %add3A_32 = arith.addi %mul3A_30, %add3A_31 : vector<16xi32>
      %swap3A = arith.index_cast %scan3A_23 : i32 to index
      %swap3A_33 = arith.constant 0 : index
      %swap3A_34 = tpu.vector_load %arg5[%swap3A, %swap3A_33] {strides = array<i32>} : memref<64x512xi32, #tpu.memory_space<vmem>>, vector<1x16xi32>,
      %swap3A_35 = vector.shape_cast %swap3A_34 : vector<1x16xi32> to vector<16xi32>
      %swap3A_36 = vector.shape_cast %add3A_32 : vector<16xi32> to vector<1x16xi32>
      tpu.vector_store %arg5[%swap3A, %swap3A_33], %swap3A_36 {strides = array<i32>} : memref<64x512xi32, #tpu.memory_space<vmem>>, vector<1x16xi32>,
      %get3A_37 = arith.index_cast %scan3A_23 : i32 to index
      %get3A_38 = arith.constant 16 : index
      %get3A_39 = tpu.vector_load %arg5[%get3A_37, %get3A_38] {strides = array<i32>} : memref<64x512xi32, #tpu.memory_space<vmem>>, vector<1x16xi32>,
      %get3A_40 = vector.shape_cast %get3A_39 : vector<1x16xi32> to vector<16xi32>
      %mul3A_41 = arith.constant 128 : i32
      %mul3A_42 = vector.broadcast %mul3A_41 : i32 to vector<16xi32>
      %mul3A_43 = arith.muli %get3A_40, %mul3A_42 : vector<16xi32>
      %add3A_44 = vector.broadcast %scan3A_23 : i32 to vector<16xi32>
      %add3A_45 = arith.addi %mul3A_43, %add3A_44 : vector<16xi32>
      %swap3A_46 = arith.index_cast %scan3A_23 : i32 to index
      %swap3A_47 = arith.constant 16 : index
      %swap3A_48 = tpu.vector_load %arg5[%swap3A_46, %swap3A_47] {strides = array<i32>} : memref<64x512xi32, #tpu.memory_space<vmem>>, vector<1x16xi32>,
      %swap3A_49 = vector.shape_cast %swap3A_48 : vector<1x16xi32> to vector<16xi32>
      %swap3A_50 = vector.shape_cast %add3A_45 : vector<16xi32> to vector<1x16xi32>
      tpu.vector_store %arg5[%swap3A_46, %swap3A_47], %swap3A_50 {strides = array<i32>} : memref<64x512xi32, #tpu.memory_space<vmem>>, vector<1x16xi32>,
      %get3A_51 = arith.index_cast %scan3A_23 : i32 to index
      %get3A_52 = arith.constant 32 : index
      %get3A_53 = tpu.vector_load %arg5[%get3A_51, %get3A_52] {strides = array<i32>} : memref<64x512xi32, #tpu.memory_space<vmem>>, vector<1x16xi32>,
      %get3A_54 = vector.shape_cast %get3A_53 : vector<1x16xi32> to vector<16xi32>
      %mul3A_55 = arith.constant 128 : i32
      %mul3A_56 = vector.broadcast %mul3A_55 : i32 to vector<16xi32>
      %mul3A_57 = arith.muli %get3A_54, %mul3A_56 : vector<16xi32>
      %add3A_58 = vector.broadcast %scan3A_23 : i32 to vector<16xi32>
      %add3A_59 = arith.addi %mul3A_57, %add3A_58 : vector<16xi32>
      %swap3A_60 = arith.index_cast %scan3A_23 : i32 to index
      %swap3A_61 = arith.constant 32 : index
      %swap3A_62 = tpu.vector_load %arg5[%swap3A_60, %swap3A_61] {strides = array<i32>} : memref<64x512xi32, #tpu.memory_space<vmem>>, vector<1x16xi32>,
      %swap3A_63 = vector.shape_cast %swap3A_62 : vector<1x16xi32> to vector<16xi32>
      %swap3A_64 = vector.shape_cast %add3A_59 : vector<16xi32> to vector<1x16xi32>
      tpu.vector_store %arg5[%swap3A_60, %swap3A_61], %swap3A_64 {strides = array<i32>} : memref<64x512xi32, #tpu.memory_space<vmem>>, vector<1x16xi32>,
      %get3A_65 = arith.index_cast %scan3A_23 : i32 to index
      %get3A_66 = arith.constant 48 : index
      %get3A_67 = tpu.vector_load %arg5[%get3A_65, %get3A_66] {strides = array<i32>} : memref<64x512xi32, #tpu.memory_space<vmem>>, vector<1x16xi32>,
      %get3A_68 = vector.shape_cast %get3A_67 : vector<1x16xi32> to vector<16xi32>
      %mul3A_69 = arith.constant 128 : i32
      %mul3A_70 = vector.broadcast %mul3A_69 : i32 to vector<16xi32>
      %mul3A_71 = arith.muli %get3A_68, %mul3A_70 : vector<16xi32>
      %add3A_72 = vector.broadcast %scan3A_23 : i32 to vector<16xi32>
      %add3A_73 = arith.addi %mul3A_71, %add3A_72 : vector<16xi32>
      %swap3A_74 = arith.index_cast %scan3A_23 : i32 to index
      %swap3A_75 = arith.constant 48 : index
      %swap3A_76 = tpu.vector_load %arg5[%swap3A_74, %swap3A_75] {strides = array<i32>} : memref<64x512xi32, #tpu.memory_space<vmem>>, vector<1x16xi32>,
      %swap3A_77 = vector.shape_cast %swap3A_76 : vector<1x16xi32> to vector<16xi32>
      %swap3A_78 = vector.shape_cast %add3A_73 : vector<16xi32> to vector<1x16xi32>
      tpu.vector_store %arg5[%swap3A_74, %swap3A_75], %swap3A_78 {strides = array<i32>} : memref<64x512xi32, #tpu.memory_space<vmem>>, vector<1x16xi32>,
      %get3A_79 = arith.index_cast %scan3A_23 : i32 to index
      %get3A_80 = arith.constant 64 : index
      %get3A_81 = tpu.vector_load %arg5[%get3A_79, %get3A_80] {strides = array<i32>} : memref<64x512xi32, #tpu.memory_space<vmem>>, vector<1x16xi32>,
      %get3A_82 = vector.shape_cast %get3A_81 : vector<1x16xi32> to vector<16xi32>
      %mul3A_83 = arith.constant 128 : i32
      %mul3A_84 = vector.broadcast %mul3A_83 : i32 to vector<16xi32>
      %mul3A_85 = arith.muli %get3A_82, %mul3A_84 : vector<16xi32>
      %add3A_86 = vector.broadcast %scan3A_23 : i32 to vector<16xi32>
      %add3A_87 = arith.addi %mul3A_85, %add3A_86 : vector<16xi32>
      %swap3A_88 = arith.index_cast %scan3A_23 : i32 to index
      %swap3A_89 = arith.constant 64 : index
      %swap3A_90 = tpu.vector_load %arg5[%swap3A_88, %swap3A_89] {strides = array<i32>} : memref<64x512xi32, #tpu.memory_space<vmem>>, vector<1x16xi32>,
      %swap3A_91 = vector.shape_cast %swap3A_90 : vector<1x16xi32> to vector<16xi32>
      %swap3A_92 = vector.shape_cast %add3A_87 : vector<16xi32> to vector<1x16xi32>
      tpu.vector_store %arg5[%swap3A_88, %swap3A_89], %swap3A_92 {strides = array<i32>} : memref<64x512xi32, #tpu.memory_space<vmem>>, vector<1x16xi32>,
      %get3A_93 = arith.index_cast %scan3A_23 : i32 to index
      %get3A_94 = arith.constant 80 : index
      %get3A_95 = tpu.vector_load %arg5[%get3A_93, %get3A_94] {strides = array<i32>} : memref<64x512xi32, #tpu.memory_space<vmem>>, vector<1x16xi32>,
      %get3A_96 = vector.shape_cast %get3A_95 : vector<1x16xi32> to vector<16xi32>
      %mul3A_97 = arith.constant 128 : i32
      %mul3A_98 = vector.broadcast %mul3A_97 : i32 to vector<16xi32>
      %mul3A_99 = arith.muli %get3A_96, %mul3A_98 : vector<16xi32>
      %add3A_100 = vector.broadcast %scan3A_23 : i32 to vector<16xi32>
      %add3A_101 = arith.addi %mul3A_99, %add3A_100 : vector<16xi32>
      %swap3A_102 = arith.index_cast %scan3A_23 : i32 to index
      %swap3A_103 = arith.constant 80 : index
      %swap3A_104 = tpu.vector_load %arg5[%swap3A_102, %swap3A_103] {strides = array<i32>} : memref<64x512xi32, #tpu.memory_space<vmem>>, vector<1x16xi32>,
      %swap3A_105 = vector.shape_cast %swap3A_104 : vector<1x16xi32> to vector<16xi32>
      %swap3A_106 = vector.shape_cast %add3A_101 : vector<16xi32> to vector<1x16xi32>
      tpu.vector_store %arg5[%swap3A_102, %swap3A_103], %swap3A_106 {strides = array<i32>} : memref<64x512xi32, #tpu.memory_space<vmem>>, vector<1x16xi32>,
      %get3A_107 = arith.index_cast %scan3A_23 : i32 to index
      %get3A_108 = arith.constant 96 : index
      %get3A_109 = tpu.vector_load %arg5[%get3A_107, %get3A_108] {strides = array<i32>} : memref<64x512xi32, #tpu.memory_space<vmem>>, vector<1x16xi32>,
      %get3A_110 = vector.shape_cast %get3A_109 : vector<1x16xi32> to vector<16xi32>
      %mul3A_111 = arith.constant 128 : i32
      %mul3A_112 = vector.broadcast %mul3A_111 : i32 to vector<16xi32>
      %mul3A_113 = arith.muli %get3A_110, %mul3A_112 : vector<16xi32>
      %add3A_114 = vector.broadcast %scan3A_23 : i32 to vector<16xi32>
      %add3A_115 = arith.addi %mul3A_113, %add3A_114 : vector<16xi32>
      %swap3A_116 = arith.index_cast %scan3A_23 : i32 to index
      %swap3A_117 = arith.constant 96 : index
      %swap3A_118 = tpu.vector_load %arg5[%swap3A_116, %swap3A_117] {strides = array<i32>} : memref<64x512xi32, #tpu.memory_space<vmem>>, vector<1x16xi32>,
      %swap3A_119 = vector.shape_cast %swap3A_118 : vector<1x16xi32> to vector<16xi32>
      %swap3A_120 = vector.shape_cast %add3A_115 : vector<16xi32> to vector<1x16xi32>
      tpu.vector_store %arg5[%swap3A_116, %swap3A_117], %swap3A_120 {strides = array<i32>} : memref<64x512xi32, #tpu.memory_space<vmem>>, vector<1x16xi32>,
      %get3A_121 = arith.index_cast %scan3A_23 : i32 to index
      %get3A_122 = arith.constant 112 : index
      %get3A_123 = tpu.vector_load %arg5[%get3A_121, %get3A_122] {strides = array<i32>} : memref<64x512xi32, #tpu.memory_space<vmem>>, vector<1x16xi32>,
      %get3A_124 = vector.shape_cast %get3A_123 : vector<1x16xi32> to vector<16xi32>
      %mul3A_125 = arith.constant 128 : i32
      %mul3A_126 = vector.broadcast %mul3A_125 : i32 to vector<16xi32>
      %mul3A_127 = arith.muli %get3A_124, %mul3A_126 : vector<16xi32>
      %add3A_128 = vector.broadcast %scan3A_23 : i32 to vector<16xi32>
      %add3A_129 = arith.addi %mul3A_127, %add3A_128 : vector<16xi32>
      %swap3A_130 = arith.index_cast %scan3A_23 : i32 to index
      %swap3A_131 = arith.constant 112 : index
      %swap3A_132 = tpu.vector_load %arg5[%swap3A_130, %swap3A_131] {strides = array<i32>} : memref<64x512xi32, #tpu.memory_space<vmem>>, vector<1x16xi32>,
      %swap3A_133 = vector.shape_cast %swap3A_132 : vector<1x16xi32> to vector<16xi32>
      %swap3A_134 = vector.shape_cast %add3A_129 : vector<16xi32> to vector<1x16xi32>
      tpu.vector_store %arg5[%swap3A_130, %swap3A_131], %swap3A_134 {strides = array<i32>} : memref<64x512xi32, #tpu.memory_space<vmem>>, vector<1x16xi32>,
      %get3A_135 = arith.index_cast %scan3A_23 : i32 to index
      %get3A_136 = arith.constant 128 : index
      %get3A_137 = tpu.vector_load %arg5[%get3A_135, %get3A_136] {strides = array<i32>} : memref<64x512xi32, #tpu.memory_space<vmem>>, vector<1x16xi32>,
      %get3A_138 = vector.shape_cast %get3A_137 : vector<1x16xi32> to vector<16xi32>
      %mul3A_139 = arith.constant 128 : i32
      %mul3A_140 = vector.broadcast %mul3A_139 : i32 to vector<16xi32>
      %mul3A_141 = arith.muli %get3A_138, %mul3A_140 : vector<16xi32>
      %add3A_142 = vector.broadcast %scan3A_23 : i32 to vector<16xi32>
      %add3A_143 = arith.addi %mul3A_141, %add3A_142 : vector<16xi32>
      %swap3A_144 = arith.index_cast %scan3A_23 : i32 to index
      %swap3A_145 = arith.constant 128 : index
      %swap3A_146 = tpu.vector_load %arg5[%swap3A_144, %swap3A_145] {strides = array<i32>} : memref<64x512xi32, #tpu.memory_space<vmem>>, vector<1x16xi32>,
      %swap3A_147 = vector.shape_cast %swap3A_146 : vector<1x16xi32> to vector<16xi32>
      %swap3A_148 = vector.shape_cast %add3A_143 : vector<16xi32> to vector<1x16xi32>
      tpu.vector_store %arg5[%swap3A_144, %swap3A_145], %swap3A_148 {strides = array<i32>} : memref<64x512xi32, #tpu.memory_space<vmem>>, vector<1x16xi32>,
      %get3A_149 = arith.index_cast %scan3A_23 : i32 to index
      %get3A_150 = arith.constant 144 : index
      %get3A_151 = tpu.vector_load %arg5[%get3A_149, %get3A_150] {strides = array<i32>} : memref<64x512xi32, #tpu.memory_space<vmem>>, vector<1x16xi32>,
      %get3A_152 = vector.shape_cast %get3A_151 : vector<1x16xi32> to vector<16xi32>
      %mul3A_153 = arith.constant 128 : i32
      %mul3A_154 = vector.broadcast %mul3A_153 : i32 to vector<16xi32>
      %mul3A_155 = arith.muli %get3A_152, %mul3A_154 : vector<16xi32>
      %add3A_156 = vector.broadcast %scan3A_23 : i32 to vector<16xi32>
      %add3A_157 = arith.addi %mul3A_155, %add3A_156 : vector<16xi32>
      %swap3A_158 = arith.index_cast %scan3A_23 : i32 to index
      %swap3A_159 = arith.constant 144 : index
      %swap3A_160 = tpu.vector_load %arg5[%swap3A_158, %swap3A_159] {strides = array<i32>} : memref<64x512xi32, #tpu.memory_space<vmem>>, vector<1x16xi32>,
      %swap3A_161 = vector.shape_cast %swap3A_160 : vector<1x16xi32> to vector<16xi32>
      %swap3A_162 = vector.shape_cast %add3A_157 : vector<16xi32> to vector<1x16xi32>
      tpu.vector_store %arg5[%swap3A_158, %swap3A_159], %swap3A_162 {strides = array<i32>} : memref<64x512xi32, #tpu.memory_space<vmem>>, vector<1x16xi32>,
      %get3A_163 = arith.index_cast %scan3A_23 : i32 to index
      %get3A_164 = arith.constant 160 : index
      %get3A_165 = tpu.vector_load %arg5[%get3A_163, %get3A_164] {strides = array<i32>} : memref<64x512xi32, #tpu.memory_space<vmem>>, vector<1x16xi32>,
      %get3A_166 = vector.shape_cast %get3A_165 : vector<1x16xi32> to vector<16xi32>
      %mul3A_167 = arith.constant 128 : i32
      %mul3A_168 = vector.broadcast %mul3A_167 : i32 to vector<16xi32>
      %mul3A_169 = arith.muli %get3A_166, %mul3A_168 : vector<16xi32>
      %add3A_170 = vector.broadcast %scan3A_23 : i32 to vector<16xi32>
      %add3A_171 = arith.addi %mul3A_169, %add3A_170 : vector<16xi32>
      %swap3A_172 = arith.index_cast %scan3A_23 : i32 to index
      %swap3A_173 = arith.constant 160 : index
      %swap3A_174 = tpu.vector_load %arg5[%swap3A_172, %swap3A_173] {strides = array<i32>} : memref<64x512xi32, #tpu.memory_space<vmem>>, vector<1x16xi32>,
      %swap3A_175 = vector.shape_cast %swap3A_174 : vector<1x16xi32> to vector<16xi32>
      %swap3A_176 = vector.shape_cast %add3A_171 : vector<16xi32> to vector<1x16xi32>
      tpu.vector_store %arg5[%swap3A_172, %swap3A_173], %swap3A_176 {strides = array<i32>} : memref<64x512xi32, #tpu.memory_space<vmem>>, vector<1x16xi32>,
      %get3A_177 = arith.index_cast %scan3A_23 : i32 to index
      %get3A_178 = arith.constant 176 : index
      %get3A_179 = tpu.vector_load %arg5[%get3A_177, %get3A_178] {strides = array<i32>} : memref<64x512xi32, #tpu.memory_space<vmem>>, vector<1x16xi32>,
      %get3A_180 = vector.shape_cast %get3A_179 : vector<1x16xi32> to vector<16xi32>
      %mul3A_181 = arith.constant 128 : i32
      %mul3A_182 = vector.broadcast %mul3A_181 : i32 to vector<16xi32>
      %mul3A_183 = arith.muli %get3A_180, %mul3A_182 : vector<16xi32>
      %add3A_184 = vector.broadcast %scan3A_23 : i32 to vector<16xi32>
      %add3A_185 = arith.addi %mul3A_183, %add3A_184 : vector<16xi32>
      %swap3A_186 = arith.index_cast %scan3A_23 : i32 to index
      %swap3A_187 = arith.constant 176 : index
      %swap3A_188 = tpu.vector_load %arg5[%swap3A_186, %swap3A_187] {strides = array<i32>} : memref<64x512xi32, #tpu.memory_space<vmem>>, vector<1x16xi32>,
      %swap3A_189 = vector.shape_cast %swap3A_188 : vector<1x16xi32> to vector<16xi32>
      %swap3A_190 = vector.shape_cast %add3A_185 : vector<16xi32> to vector<1x16xi32>
      tpu.vector_store %arg5[%swap3A_186, %swap3A_187], %swap3A_190 {strides = array<i32>} : memref<64x512xi32, #tpu.memory_space<vmem>>, vector<1x16xi32>,
      %get3A_191 = arith.index_cast %scan3A_23 : i32 to index
      %get3A_192 = arith.constant 192 : index
      %get3A_193 = tpu.vector_load %arg5[%get3A_191, %get3A_192] {strides = array<i32>} : memref<64x512xi32, #tpu.memory_space<vmem>>, vector<1x16xi32>,
      %get3A_194 = vector.shape_cast %get3A_193 : vector<1x16xi32> to vector<16xi32>
      %mul3A_195 = arith.constant 128 : i32
      %mul3A_196 = vector.broadcast %mul3A_195 : i32 to vector<16xi32>
      %mul3A_197 = arith.muli %get3A_194, %mul3A_196 : vector<16xi32>
      %add3A_198 = vector.broadcast %scan3A_23 : i32 to vector<16xi32>
      %add3A_199 = arith.addi %mul3A_197, %add3A_198 : vector<16xi32>
      %swap3A_200 = arith.index_cast %scan3A_23 : i32 to index
      %swap3A_201 = arith.constant 192 : index
      %swap3A_202 = tpu.vector_load %arg5[%swap3A_200, %swap3A_201] {strides = array<i32>} : memref<64x512xi32, #tpu.memory_space<vmem>>, vector<1x16xi32>,
      %swap3A_203 = vector.shape_cast %swap3A_202 : vector<1x16xi32> to vector<16xi32>
      %swap3A_204 = vector.shape_cast %add3A_199 : vector<16xi32> to vector<1x16xi32>
      tpu.vector_store %arg5[%swap3A_200, %swap3A_201], %swap3A_204 {strides = array<i32>} : memref<64x512xi32, #tpu.memory_space<vmem>>, vector<1x16xi32>,
      %get3A_205 = arith.index_cast %scan3A_23 : i32 to index
      %get3A_206 = arith.constant 208 : index
      %get3A_207 = tpu.vector_load %arg5[%get3A_205, %get3A_206] {strides = array<i32>} : memref<64x512xi32, #tpu.memory_space<vmem>>, vector<1x16xi32>,
      %get3A_208 = vector.shape_cast %get3A_207 : vector<1x16xi32> to vector<16xi32>
      %mul3A_209 = arith.constant 128 : i32
      %mul3A_210 = vector.broadcast %mul3A_209 : i32 to vector<16xi32>
      %mul3A_211 = arith.muli %get3A_208, %mul3A_210 : vector<16xi32>
      %add3A_212 = vector.broadcast %scan3A_23 : i32 to vector<16xi32>
      %add3A_213 = arith.addi %mul3A_211, %add3A_212 : vector<16xi32>
      %swap3A_214 = arith.index_cast %scan3A_23 : i32 to index
      %swap3A_215 = arith.constant 208 : index
      %swap3A_216 = tpu.vector_load %arg5[%swap3A_214, %swap3A_215] {strides = array<i32>} : memref<64x512xi32, #tpu.memory_space<vmem>>, vector<1x16xi32>,
      %swap3A_217 = vector.shape_cast %swap3A_216 : vector<1x16xi32> to vector<16xi32>
      %swap3A_218 = vector.shape_cast %add3A_213 : vector<16xi32> to vector<1x16xi32>
      tpu.vector_store %arg5[%swap3A_214, %swap3A_215], %swap3A_218 {strides = array<i32>} : memref<64x512xi32, #tpu.memory_space<vmem>>, vector<1x16xi32>,
      %get3A_219 = arith.index_cast %scan3A_23 : i32 to index
      %get3A_220 = arith.constant 224 : index
      %get3A_221 = tpu.vector_load %arg5[%get3A_219, %get3A_220] {strides = array<i32>} : memref<64x512xi32, #tpu.memory_space<vmem>>, vector<1x16xi32>,
      %get3A_222 = vector.shape_cast %get3A_221 : vector<1x16xi32> to vector<16xi32>
      %mul3A_223 = arith.constant 128 : i32
      %mul3A_224 = vector.broadcast %mul3A_223 : i32 to vector<16xi32>
      %mul3A_225 = arith.muli %get3A_222, %mul3A_224 : vector<16xi32>
      %add3A_226 = vector.broadcast %scan3A_23 : i32 to vector<16xi32>
      %add3A_227 = arith.addi %mul3A_225, %add3A_226 : vector<16xi32>
      %swap3A_228 = arith.index_cast %scan3A_23 : i32 to index
      %swap3A_229 = arith.constant 224 : index
      %swap3A_230 = tpu.vector_load %arg5[%swap3A_228, %swap3A_229] {strides = array<i32>} : memref<64x512xi32, #tpu.memory_space<vmem>>, vector<1x16xi32>,
      %swap3A_231 = vector.shape_cast %swap3A_230 : vector<1x16xi32> to vector<16xi32>
      %swap3A_232 = vector.shape_cast %add3A_227 : vector<16xi32> to vector<1x16xi32>
      tpu.vector_store %arg5[%swap3A_228, %swap3A_229], %swap3A_232 {strides = array<i32>} : memref<64x512xi32, #tpu.memory_space<vmem>>, vector<1x16xi32>,
      %get3A_233 = arith.index_cast %scan3A_23 : i32 to index
      %get3A_234 = arith.constant 240 : index
      %get3A_235 = tpu.vector_load %arg5[%get3A_233, %get3A_234] {strides = array<i32>} : memref<64x512xi32, #tpu.memory_space<vmem>>, vector<1x16xi32>,
      %get3A_236 = vector.shape_cast %get3A_235 : vector<1x16xi32> to vector<16xi32>
      %mul3A_237 = arith.constant 128 : i32
      %mul3A_238 = vector.broadcast %mul3A_237 : i32 to vector<16xi32>
      %mul3A_239 = arith.muli %get3A_236, %mul3A_238 : vector<16xi32>
      %add3A_240 = vector.broadcast %scan3A_23 : i32 to vector<16xi32>
      %add3A_241 = arith.addi %mul3A_239, %add3A_240 : vector<16xi32>
      %swap3A_242 = arith.index_cast %scan3A_23 : i32 to index
      %swap3A_243 = arith.constant 240 : index
      %swap3A_244 = tpu.vector_load %arg5[%swap3A_242, %swap3A_243] {strides = array<i32>} : memref<64x512xi32, #tpu.memory_space<vmem>>, vector<1x16xi32>,
      %swap3A_245 = vector.shape_cast %swap3A_244 : vector<1x16xi32> to vector<16xi32>
      %swap3A_246 = vector.shape_cast %add3A_241 : vector<16xi32> to vector<1x16xi32>
      tpu.vector_store %arg5[%swap3A_242, %swap3A_243], %swap3A_246 {strides = array<i32>} : memref<64x512xi32, #tpu.memory_space<vmem>>, vector<1x16xi32>,
      %get3A_247 = arith.index_cast %scan3A_23 : i32 to index
      %get3A_248 = arith.constant 256 : index
      %get3A_249 = tpu.vector_load %arg5[%get3A_247, %get3A_248] {strides = array<i32>} : memref<64x512xi32, #tpu.memory_space<vmem>>, vector<1x16xi32>,
      %get3A_250 = vector.shape_cast %get3A_249 : vector<1x16xi32> to vector<16xi32>
      %mul3A_251 = arith.constant 128 : i32
      %mul3A_252 = vector.broadcast %mul3A_251 : i32 to vector<16xi32>
      %mul3A_253 = arith.muli %get3A_250, %mul3A_252 : vector<16xi32>
      %add3A_254 = vector.broadcast %scan3A_23 : i32 to vector<16xi32>
      %add3A_255 = arith.addi %mul3A_253, %add3A_254 : vector<16xi32>
      %swap3A_256 = arith.index_cast %scan3A_23 : i32 to index
      %swap3A_257 = arith.constant 256 : index
      %swap3A_258 = tpu.vector_load %arg5[%swap3A_256, %swap3A_257] {strides = array<i32>} : memref<64x512xi32, #tpu.memory_space<vmem>>, vector<1x16xi32>,
      %swap3A_259 = vector.shape_cast %swap3A_258 : vector<1x16xi32> to vector<16xi32>
      %swap3A_260 = vector.shape_cast %add3A_255 : vector<16xi32> to vector<1x16xi32>
      tpu.vector_store %arg5[%swap3A_256, %swap3A_257], %swap3A_260 {strides = array<i32>} : memref<64x512xi32, #tpu.memory_space<vmem>>, vector<1x16xi32>,
      %get3A_261 = arith.index_cast %scan3A_23 : i32 to index
      %get3A_262 = arith.constant 272 : index
      %get3A_263 = tpu.vector_load %arg5[%get3A_261, %get3A_262] {strides = array<i32>} : memref<64x512xi32, #tpu.memory_space<vmem>>, vector<1x16xi32>,
      %get3A_264 = vector.shape_cast %get3A_263 : vector<1x16xi32> to vector<16xi32>
      %mul3A_265 = arith.constant 128 : i32
      %mul3A_266 = vector.broadcast %mul3A_265 : i32 to vector<16xi32>
      %mul3A_267 = arith.muli %get3A_264, %mul3A_266 : vector<16xi32>
      %add3A_268 = vector.broadcast %scan3A_23 : i32 to vector<16xi32>
      %add3A_269 = arith.addi %mul3A_267, %add3A_268 : vector<16xi32>
      %swap3A_270 = arith.index_cast %scan3A_23 : i32 to index
      %swap3A_271 = arith.constant 272 : index
      %swap3A_272 = tpu.vector_load %arg5[%swap3A_270, %swap3A_271] {strides = array<i32>} : memref<64x512xi32, #tpu.memory_space<vmem>>, vector<1x16xi32>,
      %swap3A_273 = vector.shape_cast %swap3A_272 : vector<1x16xi32> to vector<16xi32>
      %swap3A_274 = vector.shape_cast %add3A_269 : vector<16xi32> to vector<1x16xi32>
      tpu.vector_store %arg5[%swap3A_270, %swap3A_271], %swap3A_274 {strides = array<i32>} : memref<64x512xi32, #tpu.memory_space<vmem>>, vector<1x16xi32>,
      %get3A_275 = arith.index_cast %scan3A_23 : i32 to index
      %get3A_276 = arith.constant 288 : index
      %get3A_277 = tpu.vector_load %arg5[%get3A_275, %get3A_276] {strides = array<i32>} : memref<64x512xi32, #tpu.memory_space<vmem>>, vector<1x16xi32>,
      %get3A_278 = vector.shape_cast %get3A_277 : vector<1x16xi32> to vector<16xi32>
      %mul3A_279 = arith.constant 128 : i32
      %mul3A_280 = vector.broadcast %mul3A_279 : i32 to vector<16xi32>
      %mul3A_281 = arith.muli %get3A_278, %mul3A_280 : vector<16xi32>
      %add3A_282 = vector.broadcast %scan3A_23 : i32 to vector<16xi32>
      %add3A_283 = arith.addi %mul3A_281, %add3A_282 : vector<16xi32>
      %swap3A_284 = arith.index_cast %scan3A_23 : i32 to index
      %swap3A_285 = arith.constant 288 : index
      %swap3A_286 = tpu.vector_load %arg5[%swap3A_284, %swap3A_285] {strides = array<i32>} : memref<64x512xi32, #tpu.memory_space<vmem>>, vector<1x16xi32>,
      %swap3A_287 = vector.shape_cast %swap3A_286 : vector<1x16xi32> to vector<16xi32>
      %swap3A_288 = vector.shape_cast %add3A_283 : vector<16xi32> to vector<1x16xi32>
      tpu.vector_store %arg5[%swap3A_284, %swap3A_285], %swap3A_288 {strides = array<i32>} : memref<64x512xi32, #tpu.memory_space<vmem>>, vector<1x16xi32>,
      %get3A_289 = arith.index_cast %scan3A_23 : i32 to index
      %get3A_290 = arith.constant 304 : index
      %get3A_291 = tpu.vector_load %arg5[%get3A_289, %get3A_290] {strides = array<i32>} : memref<64x512xi32, #tpu.memory_space<vmem>>, vector<1x16xi32>,
      %get3A_292 = vector.shape_cast %get3A_291 : vector<1x16xi32> to vector<16xi32>
      %mul3A_293 = arith.constant 128 : i32
      %mul3A_294 = vector.broadcast %mul3A_293 : i32 to vector<16xi32>
      %mul3A_295 = arith.muli %get3A_292, %mul3A_294 : vector<16xi32>
      %add3A_296 = vector.broadcast %scan3A_23 : i32 to vector<16xi32>
      %add3A_297 = arith.addi %mul3A_295, %add3A_296 : vector<16xi32>
      %swap3A_298 = arith.index_cast %scan3A_23 : i32 to index
      %swap3A_299 = arith.constant 304 : index
      %swap3A_300 = tpu.vector_load %arg5[%swap3A_298, %swap3A_299] {strides = array<i32>} : memref<64x512xi32, #tpu.memory_space<vmem>>, vector<1x16xi32>,
      %swap3A_301 = vector.shape_cast %swap3A_300 : vector<1x16xi32> to vector<16xi32>
      %swap3A_302 = vector.shape_cast %add3A_297 : vector<16xi32> to vector<1x16xi32>
      tpu.vector_store %arg5[%swap3A_298, %swap3A_299], %swap3A_302 {strides = array<i32>} : memref<64x512xi32, #tpu.memory_space<vmem>>, vector<1x16xi32>,
      %get3A_303 = arith.index_cast %scan3A_23 : i32 to index
      %get3A_304 = arith.constant 320 : index
      %get3A_305 = tpu.vector_load %arg5[%get3A_303, %get3A_304] {strides = array<i32>} : memref<64x512xi32, #tpu.memory_space<vmem>>, vector<1x16xi32>,
      %get3A_306 = vector.shape_cast %get3A_305 : vector<1x16xi32> to vector<16xi32>
      %mul3A_307 = arith.constant 128 : i32
      %mul3A_308 = vector.broadcast %mul3A_307 : i32 to vector<16xi32>
      %mul3A_309 = arith.muli %get3A_306, %mul3A_308 : vector<16xi32>
      %add3A_310 = vector.broadcast %scan3A_23 : i32 to vector<16xi32>
      %add3A_311 = arith.addi %mul3A_309, %add3A_310 : vector<16xi32>
      %swap3A_312 = arith.index_cast %scan3A_23 : i32 to index
      %swap3A_313 = arith.constant 320 : index
      %swap3A_314 = tpu.vector_load %arg5[%swap3A_312, %swap3A_313] {strides = array<i32>} : memref<64x512xi32, #tpu.memory_space<vmem>>, vector<1x16xi32>,
      %swap3A_315 = vector.shape_cast %swap3A_314 : vector<1x16xi32> to vector<16xi32>
      %swap3A_316 = vector.shape_cast %add3A_311 : vector<16xi32> to vector<1x16xi32>
      tpu.vector_store %arg5[%swap3A_312, %swap3A_313], %swap3A_316 {strides = array<i32>} : memref<64x512xi32, #tpu.memory_space<vmem>>, vector<1x16xi32>,
      %get3A_317 = arith.index_cast %scan3A_23 : i32 to index
      %get3A_318 = arith.constant 336 : index
      %get3A_319 = tpu.vector_load %arg5[%get3A_317, %get3A_318] {strides = array<i32>} : memref<64x512xi32, #tpu.memory_space<vmem>>, vector<1x16xi32>,
      %get3A_320 = vector.shape_cast %get3A_319 : vector<1x16xi32> to vector<16xi32>
      %mul3A_321 = arith.constant 128 : i32
      %mul3A_322 = vector.broadcast %mul3A_321 : i32 to vector<16xi32>
      %mul3A_323 = arith.muli %get3A_320, %mul3A_322 : vector<16xi32>
      %add3A_324 = vector.broadcast %scan3A_23 : i32 to vector<16xi32>
      %add3A_325 = arith.addi %mul3A_323, %add3A_324 : vector<16xi32>
      %swap3A_326 = arith.index_cast %scan3A_23 : i32 to index
      %swap3A_327 = arith.constant 336 : index
      %swap3A_328 = tpu.vector_load %arg5[%swap3A_326, %swap3A_327] {strides = array<i32>} : memref<64x512xi32, #tpu.memory_space<vmem>>, vector<1x16xi32>,
      %swap3A_329 = vector.shape_cast %swap3A_328 : vector<1x16xi32> to vector<16xi32>
      %swap3A_330 = vector.shape_cast %add3A_325 : vector<16xi32> to vector<1x16xi32>
      tpu.vector_store %arg5[%swap3A_326, %swap3A_327], %swap3A_330 {strides = array<i32>} : memref<64x512xi32, #tpu.memory_space<vmem>>, vector<1x16xi32>,
      %get3A_331 = arith.index_cast %scan3A_23 : i32 to index
      %get3A_332 = arith.constant 352 : index
      %get3A_333 = tpu.vector_load %arg5[%get3A_331, %get3A_332] {strides = array<i32>} : memref<64x512xi32, #tpu.memory_space<vmem>>, vector<1x16xi32>,
      %get3A_334 = vector.shape_cast %get3A_333 : vector<1x16xi32> to vector<16xi32>
      %mul3A_335 = arith.constant 128 : i32
      %mul3A_336 = vector.broadcast %mul3A_335 : i32 to vector<16xi32>
      %mul3A_337 = arith.muli %get3A_334, %mul3A_336 : vector<16xi32>
      %add3A_338 = vector.broadcast %scan3A_23 : i32 to vector<16xi32>
      %add3A_339 = arith.addi %mul3A_337, %add3A_338 : vector<16xi32>
      %swap3A_340 = arith.index_cast %scan3A_23 : i32 to index
      %swap3A_341 = arith.constant 352 : index
      %swap3A_342 = tpu.vector_load %arg5[%swap3A_340, %swap3A_341] {strides = array<i32>} : memref<64x512xi32, #tpu.memory_space<vmem>>, vector<1x16xi32>,
      %swap3A_343 = vector.shape_cast %swap3A_342 : vector<1x16xi32> to vector<16xi32>
      %swap3A_344 = vector.shape_cast %add3A_339 : vector<16xi32> to vector<1x16xi32>
      tpu.vector_store %arg5[%swap3A_340, %swap3A_341], %swap3A_344 {strides = array<i32>} : memref<64x512xi32, #tpu.memory_space<vmem>>, vector<1x16xi32>,
      %get3A_345 = arith.index_cast %scan3A_23 : i32 to index
      %get3A_346 = arith.constant 368 : index
      %get3A_347 = tpu.vector_load %arg5[%get3A_345, %get3A_346] {strides = array<i32>} : memref<64x512xi32, #tpu.memory_space<vmem>>, vector<1x16xi32>,
      %get3A_348 = vector.shape_cast %get3A_347 : vector<1x16xi32> to vector<16xi32>
      %mul3A_349 = arith.constant 128 : i32
      %mul3A_350 = vector.broadcast %mul3A_349 : i32 to vector<16xi32>
      %mul3A_351 = arith.muli %get3A_348, %mul3A_350 : vector<16xi32>
      %add3A_352 = vector.broadcast %scan3A_23 : i32 to vector<16xi32>
      %add3A_353 = arith.addi %mul3A_351, %add3A_352 : vector<16xi32>
      %swap3A_354 = arith.index_cast %scan3A_23 : i32 to index
      %swap3A_355 = arith.constant 368 : index
      %swap3A_356 = tpu.vector_load %arg5[%swap3A_354, %swap3A_355] {strides = array<i32>} : memref<64x512xi32, #tpu.memory_space<vmem>>, vector<1x16xi32>,
      %swap3A_357 = vector.shape_cast %swap3A_356 : vector<1x16xi32> to vector<16xi32>
      %swap3A_358 = vector.shape_cast %add3A_353 : vector<16xi32> to vector<1x16xi32>
      tpu.vector_store %arg5[%swap3A_354, %swap3A_355], %swap3A_358 {strides = array<i32>} : memref<64x512xi32, #tpu.memory_space<vmem>>, vector<1x16xi32>,
      %get3A_359 = arith.index_cast %scan3A_23 : i32 to index
      %get3A_360 = arith.constant 384 : index
      %get3A_361 = tpu.vector_load %arg5[%get3A_359, %get3A_360] {strides = array<i32>} : memref<64x512xi32, #tpu.memory_space<vmem>>, vector<1x16xi32>,
      %get3A_362 = vector.shape_cast %get3A_361 : vector<1x16xi32> to vector<16xi32>
      %mul3A_363 = arith.constant 128 : i32
      %mul3A_364 = vector.broadcast %mul3A_363 : i32 to vector<16xi32>
      %mul3A_365 = arith.muli %get3A_362, %mul3A_364 : vector<16xi32>
      %add3A_366 = vector.broadcast %scan3A_23 : i32 to vector<16xi32>
      %add3A_367 = arith.addi %mul3A_365, %add3A_366 : vector<16xi32>
      %swap3A_368 = arith.index_cast %scan3A_23 : i32 to index
      %swap3A_369 = arith.constant 384 : index
      %swap3A_370 = tpu.vector_load %arg5[%swap3A_368, %swap3A_369] {strides = array<i32>} : memref<64x512xi32, #tpu.memory_space<vmem>>, vector<1x16xi32>,
      %swap3A_371 = vector.shape_cast %swap3A_370 : vector<1x16xi32> to vector<16xi32>
      %swap3A_372 = vector.shape_cast %add3A_367 : vector<16xi32> to vector<1x16xi32>
      tpu.vector_store %arg5[%swap3A_368, %swap3A_369], %swap3A_372 {strides = array<i32>} : memref<64x512xi32, #tpu.memory_space<vmem>>, vector<1x16xi32>,
      %get3A_373 = arith.index_cast %scan3A_23 : i32 to index
      %get3A_374 = arith.constant 400 : index
      %get3A_375 = tpu.vector_load %arg5[%get3A_373, %get3A_374] {strides = array<i32>} : memref<64x512xi32, #tpu.memory_space<vmem>>, vector<1x16xi32>,
      %get3A_376 = vector.shape_cast %get3A_375 : vector<1x16xi32> to vector<16xi32>
      %mul3A_377 = arith.constant 128 : i32
      %mul3A_378 = vector.broadcast %mul3A_377 : i32 to vector<16xi32>
      %mul3A_379 = arith.muli %get3A_376, %mul3A_378 : vector<16xi32>
      %add3A_380 = vector.broadcast %scan3A_23 : i32 to vector<16xi32>
      %add3A_381 = arith.addi %mul3A_379, %add3A_380 : vector<16xi32>
      %swap3A_382 = arith.index_cast %scan3A_23 : i32 to index
      %swap3A_383 = arith.constant 400 : index
      %swap3A_384 = tpu.vector_load %arg5[%swap3A_382, %swap3A_383] {strides = array<i32>} : memref<64x512xi32, #tpu.memory_space<vmem>>, vector<1x16xi32>,
      %swap3A_385 = vector.shape_cast %swap3A_384 : vector<1x16xi32> to vector<16xi32>
      %swap3A_386 = vector.shape_cast %add3A_381 : vector<16xi32> to vector<1x16xi32>
      tpu.vector_store %arg5[%swap3A_382, %swap3A_383], %swap3A_386 {strides = array<i32>} : memref<64x512xi32, #tpu.memory_space<vmem>>, vector<1x16xi32>,
      %get3A_387 = arith.index_cast %scan3A_23 : i32 to index
      %get3A_388 = arith.constant 416 : index
      %get3A_389 = tpu.vector_load %arg5[%get3A_387, %get3A_388] {strides = array<i32>} : memref<64x512xi32, #tpu.memory_space<vmem>>, vector<1x16xi32>,
      %get3A_390 = vector.shape_cast %get3A_389 : vector<1x16xi32> to vector<16xi32>
      %mul3A_391 = arith.constant 128 : i32
      %mul3A_392 = vector.broadcast %mul3A_391 : i32 to vector<16xi32>
      %mul3A_393 = arith.muli %get3A_390, %mul3A_392 : vector<16xi32>
      %add3A_394 = vector.broadcast %scan3A_23 : i32 to vector<16xi32>
      %add3A_395 = arith.addi %mul3A_393, %add3A_394 : vector<16xi32>
      %swap3A_396 = arith.index_cast %scan3A_23 : i32 to index
      %swap3A_397 = arith.constant 416 : index
      %swap3A_398 = tpu.vector_load %arg5[%swap3A_396, %swap3A_397] {strides = array<i32>} : memref<64x512xi32, #tpu.memory_space<vmem>>, vector<1x16xi32>,
      %swap3A_399 = vector.shape_cast %swap3A_398 : vector<1x16xi32> to vector<16xi32>
      %swap3A_400 = vector.shape_cast %add3A_395 : vector<16xi32> to vector<1x16xi32>
      tpu.vector_store %arg5[%swap3A_396, %swap3A_397], %swap3A_400 {strides = array<i32>} : memref<64x512xi32, #tpu.memory_space<vmem>>, vector<1x16xi32>,
      %get3A_401 = arith.index_cast %scan3A_23 : i32 to index
      %get3A_402 = arith.constant 432 : index
      %get3A_403 = tpu.vector_load %arg5[%get3A_401, %get3A_402] {strides = array<i32>} : memref<64x512xi32, #tpu.memory_space<vmem>>, vector<1x16xi32>,
      %get3A_404 = vector.shape_cast %get3A_403 : vector<1x16xi32> to vector<16xi32>
      %mul3A_405 = arith.constant 128 : i32
      %mul3A_406 = vector.broadcast %mul3A_405 : i32 to vector<16xi32>
      %mul3A_407 = arith.muli %get3A_404, %mul3A_406 : vector<16xi32>
      %add3A_408 = vector.broadcast %scan3A_23 : i32 to vector<16xi32>
      %add3A_409 = arith.addi %mul3A_407, %add3A_408 : vector<16xi32>
      %swap3A_410 = arith.index_cast %scan3A_23 : i32 to index
      %swap3A_411 = arith.constant 432 : index
      %swap3A_412 = tpu.vector_load %arg5[%swap3A_410, %swap3A_411] {strides = array<i32>} : memref<64x512xi32, #tpu.memory_space<vmem>>, vector<1x16xi32>,
      %swap3A_413 = vector.shape_cast %swap3A_412 : vector<1x16xi32> to vector<16xi32>
      %swap3A_414 = vector.shape_cast %add3A_409 : vector<16xi32> to vector<1x16xi32>
      tpu.vector_store %arg5[%swap3A_410, %swap3A_411], %swap3A_414 {strides = array<i32>} : memref<64x512xi32, #tpu.memory_space<vmem>>, vector<1x16xi32>,
      %get3A_415 = arith.index_cast %scan3A_23 : i32 to index
      %get3A_416 = arith.constant 448 : index
      %get3A_417 = tpu.vector_load %arg5[%get3A_415, %get3A_416] {strides = array<i32>} : memref<64x512xi32, #tpu.memory_space<vmem>>, vector<1x16xi32>,
      %get3A_418 = vector.shape_cast %get3A_417 : vector<1x16xi32> to vector<16xi32>
      %mul3A_419 = arith.constant 128 : i32
      %mul3A_420 = vector.broadcast %mul3A_419 : i32 to vector<16xi32>
      %mul3A_421 = arith.muli %get3A_418, %mul3A_420 : vector<16xi32>
      %add3A_422 = vector.broadcast %scan3A_23 : i32 to vector<16xi32>
      %add3A_423 = arith.addi %mul3A_421, %add3A_422 : vector<16xi32>
      %swap3A_424 = arith.index_cast %scan3A_23 : i32 to index
      %swap3A_425 = arith.constant 448 : index
      %swap3A_426 = tpu.vector_load %arg5[%swap3A_424, %swap3A_425] {strides = array<i32>} : memref<64x512xi32, #tpu.memory_space<vmem>>, vector<1x16xi32>,
      %swap3A_427 = vector.shape_cast %swap3A_426 : vector<1x16xi32> to vector<16xi32>
      %swap3A_428 = vector.shape_cast %add3A_423 : vector<16xi32> to vector<1x16xi32>
      tpu.vector_store %arg5[%swap3A_424, %swap3A_425], %swap3A_428 {strides = array<i32>} : memref<64x512xi32, #tpu.memory_space<vmem>>, vector<1x16xi32>,
      %get3A_429 = arith.index_cast %scan3A_23 : i32 to index
      %get3A_430 = arith.constant 464 : index
      %get3A_431 = tpu.vector_load %arg5[%get3A_429, %get3A_430] {strides = array<i32>} : memref<64x512xi32, #tpu.memory_space<vmem>>, vector<1x16xi32>,
      %get3A_432 = vector.shape_cast %get3A_431 : vector<1x16xi32> to vector<16xi32>
      %mul3A_433 = arith.constant 128 : i32
      %mul3A_434 = vector.broadcast %mul3A_433 : i32 to vector<16xi32>
      %mul3A_435 = arith.muli %get3A_432, %mul3A_434 : vector<16xi32>
      %add3A_436 = vector.broadcast %scan3A_23 : i32 to vector<16xi32>
      %add3A_437 = arith.addi %mul3A_435, %add3A_436 : vector<16xi32>
      %swap3A_438 = arith.index_cast %scan3A_23 : i32 to index
      %swap3A_439 = arith.constant 464 : index
      %swap3A_440 = tpu.vector_load %arg5[%swap3A_438, %swap3A_439] {strides = array<i32>} : memref<64x512xi32, #tpu.memory_space<vmem>>, vector<1x16xi32>,
      %swap3A_441 = vector.shape_cast %swap3A_440 : vector<1x16xi32> to vector<16xi32>
      %swap3A_442 = vector.shape_cast %add3A_437 : vector<16xi32> to vector<1x16xi32>
      tpu.vector_store %arg5[%swap3A_438, %swap3A_439], %swap3A_442 {strides = array<i32>} : memref<64x512xi32, #tpu.memory_space<vmem>>, vector<1x16xi32>,
      %get3A_443 = arith.index_cast %scan3A_23 : i32 to index
      %get3A_444 = arith.constant 480 : index
      %get3A_445 = tpu.vector_load %arg5[%get3A_443, %get3A_444] {strides = array<i32>} : memref<64x512xi32, #tpu.memory_space<vmem>>, vector<1x16xi32>,
      %get3A_446 = vector.shape_cast %get3A_445 : vector<1x16xi32> to vector<16xi32>
      %mul3A_447 = arith.constant 128 : i32
      %mul3A_448 = vector.broadcast %mul3A_447 : i32 to vector<16xi32>
      %mul3A_449 = arith.muli %get3A_446, %mul3A_448 : vector<16xi32>
      %add3A_450 = vector.broadcast %scan3A_23 : i32 to vector<16xi32>
      %add3A_451 = arith.addi %mul3A_449, %add3A_450 : vector<16xi32>
      %swap3A_452 = arith.index_cast %scan3A_23 : i32 to index
      %swap3A_453 = arith.constant 480 : index
      %swap3A_454 = tpu.vector_load %arg5[%swap3A_452, %swap3A_453] {strides = array<i32>} : memref<64x512xi32, #tpu.memory_space<vmem>>, vector<1x16xi32>,
      %swap3A_455 = vector.shape_cast %swap3A_454 : vector<1x16xi32> to vector<16xi32>
      %swap3A_456 = vector.shape_cast %add3A_451 : vector<16xi32> to vector<1x16xi32>
      tpu.vector_store %arg5[%swap3A_452, %swap3A_453], %swap3A_456 {strides = array<i32>} : memref<64x512xi32, #tpu.memory_space<vmem>>, vector<1x16xi32>,
      %get3A_457 = arith.index_cast %scan3A_23 : i32 to index
      %get3A_458 = arith.constant 496 : index
      %get3A_459 = tpu.vector_load %arg5[%get3A_457, %get3A_458] {strides = array<i32>} : memref<64x512xi32, #tpu.memory_space<vmem>>, vector<1x16xi32>,
      %get3A_460 = vector.shape_cast %get3A_459 : vector<1x16xi32> to vector<16xi32>
      %mul3A_461 = arith.constant 128 : i32
      %mul3A_462 = vector.broadcast %mul3A_461 : i32 to vector<16xi32>
      %mul3A_463 = arith.muli %get3A_460, %mul3A_462 : vector<16xi32>
      %add3A_464 = vector.broadcast %scan3A_23 : i32 to vector<16xi32>
      %add3A_465 = arith.addi %mul3A_463, %add3A_464 : vector<16xi32>
      %swap3A_466 = arith.index_cast %scan3A_23 : i32 to index
      %swap3A_467 = arith.constant 496 : index
      %swap3A_468 = tpu.vector_load %arg5[%swap3A_466, %swap3A_467] {strides = array<i32>} : memref<64x512xi32, #tpu.memory_space<vmem>>, vector<1x16xi32>,
      %swap3A_469 = vector.shape_cast %swap3A_468 : vector<1x16xi32> to vector<16xi32>
      %swap3A_470 = vector.shape_cast %add3A_465 : vector<16xi32> to vector<1x16xi32>
      tpu.vector_store %arg5[%swap3A_466, %swap3A_467], %swap3A_470 {strides = array<i32>} : memref<64x512xi32, #tpu.memory_space<vmem>>, vector<1x16xi32>,
      %scan3A_471 = arith.constant 0 : i32
      scf.yield %scan3A_471 : i32
    }
    %scan3A_8 = arith.constant 64 : i32
    %scan3A_9 = arith.constant 0 : i32
    %scan3A_10 = arith.constant 0 : i32
    %scan3A_11 = arith.constant 256 : i32
    %scan3A_12 = arith.addi %scan3A_10, %scan3A_11 : i32
    %scan3A_13 = arith.constant 1 : i32
    %scan3A_14 = scf.for %scan3A_23 = %scan3A_10 to %scan3A_12 step %scan3A_13 iter_args(%scan3A_24 = %scan3A_9) -> (i32)  : i32 {
      %jit3A = arith.constant 4 : i32
      %div3A = arith.divsi %scan3A_23, %jit3A : i32
      %sign3A = arith.constant 0 : i32
      %sign3A_25 = arith.cmpi sgt, %scan3A_23, %sign3A : i32
      %sign3A_26 = arith.extui %sign3A_25 : i1 to i32
      %sign3A_27 = arith.constant 0 : i32
      %sign3A_28 = arith.cmpi slt, %scan3A_23, %sign3A_27 : i32
      %sign3A_29 = arith.extui %sign3A_28 : i1 to i32
      %sign3A_30 = arith.subi %sign3A_26, %sign3A_29 : i32
      %sign3A_31 = arith.constant 0 : i32
      %sign3A_32 = arith.cmpi sgt, %jit3A, %sign3A_31 : i32
      %sign3A_33 = arith.extui %sign3A_32 : i1 to i32
      %sign3A_34 = arith.constant 0 : i32
      %sign3A_35 = arith.cmpi slt, %jit3A, %sign3A_34 : i32
      %sign3A_36 = arith.extui %sign3A_35 : i1 to i32
      %sign3A_37 = arith.subi %sign3A_33, %sign3A_36 : i32
      %ne3A = arith.cmpi ne, %sign3A_30, %sign3A_37 : i32
      %rem3A = arith.remsi %scan3A_23, %jit3A : i32
      %ne3A_38 = arith.constant 0 : i32
      %ne3A_39 = arith.cmpi ne, %rem3A, %ne3A_38 : i32
      %and3A = arith.andi %ne3A, %ne3A_39 : i1
      %sub3A = arith.constant 1 : i32
      %sub3A_40 = arith.subi %div3A, %sub3A : i32
      %select_n3A = arith.select %and3A, %sub3A_40, %div3A : i32
      %jit3A_41 = arith.constant 4 : i32
      %eq3A = arith.constant 0 : i32
      %eq3A_42 = arith.cmpi eq, %jit3A_41, %eq3A : i32
      %jit3A_43 = arith.constant 1 : i32
      %select_n3A_44 = arith.select %eq3A_42, %jit3A_43, %jit3A_41 : i32
      %rem3A_45 = arith.remsi %scan3A_23, %select_n3A_44 : i32
      %ne3A_46 = arith.constant 0 : i32
      %ne3A_47 = arith.cmpi ne, %rem3A_45, %ne3A_46 : i32
      %lt3A = arith.constant 0 : i32
      %lt3A_48 = arith.cmpi slt, %rem3A_45, %lt3A : i32
      %lt3A_49 = arith.constant 0 : i32
      %lt3A_50 = arith.cmpi slt, %select_n3A_44, %lt3A_49 : i32
      %ne3A_51 = arith.xori %lt3A_48, %lt3A_50 : i1
      %and3A_52 = arith.andi %ne3A_51, %ne3A_47 : i1
      %add3A_53 = arith.addi %rem3A_45, %select_n3A_44 : i32
      %select_n3A_54 = arith.select %and3A_52, %add3A_53, %rem3A_45 : i32
      %mul3A_55 = arith.constant 128 : i32
      %mul3A_56 = arith.muli %select_n3A_54, %mul3A_55 : i32
      %mul3A_57 = arith.constant 128 : i32
      %mul3A_58 = arith.muli %select_n3A_54, %mul3A_57 : i32
      %dma_start3A = tpu.memref_slice %arg6[%select_n3A, %mul3A_58] : memref<64x512xf32, #tpu.memory_space<vmem>> -> memref<1x128xf32, #tpu.memory_space<vmem>>
      %dma_start3A_59 = tpu.memref_squeeze %dma_start3A : memref<1x128xf32, #tpu.memory_space<vmem>> -> memref<128xf32, #tpu.memory_space<vmem>>
      %dma_start3A_60 = tpu.memref_slice %arg5[%select_n3A, %mul3A_56] : memref<64x512xi32, #tpu.memory_space<vmem>> -> memref<1x128xi32, #tpu.memory_space<vmem>>
      %dma_start3A_61 = tpu.memref_squeeze %dma_start3A_60 : memref<1x128xi32, #tpu.memory_space<vmem>> -> memref<128xi32, #tpu.memory_space<vmem>>
      %dma_start3A_62 = arith.constant 0 : i32
      %dma_start3A_63 = tpu.memref_slice %arg2[%dma_start3A_62] : memref<128000000xf32, #tpu.memory_space<hbm>> -> memref<128000000xf32, #tpu.memory_space<hbm>>
      tpu.enqueue_indirect_dma source(%dma_start3A_63 : memref<128000000xf32, #tpu.memory_space<hbm>>) target(%dma_start3A_59 : memref<128xf32, #tpu.memory_space<vmem>>) offsets(%dma_start3A_61 : memref<128xi32, #tpu.memory_space<vmem>>) semaphore(%arg7 : memref<!tpu.dma_semaphore, #tpu.memory_space<semaphore_mem>>)
      %scan3A_64 = arith.constant 0 : i32
      scf.yield %scan3A_64 : i32
    }
    %scan3A_15 = arith.constant 256 : i32
    %scan3A_16 = arith.constant 0 : i32
    %scan3A_17 = arith.constant 0 : i32
    %scan3A_18 = arith.constant 256 : i32
    %scan3A_19 = arith.addi %scan3A_17, %scan3A_18 : i32
    %scan3A_20 = arith.constant 1 : i32
    %scan3A_21 = scf.for %scan3A_23 = %scan3A_17 to %scan3A_19 step %scan3A_20 iter_args(%scan3A_24 = %scan3A_16) -> (i32)  : i32 {
      %jit3A = arith.constant 4 : i32
      %div3A = arith.divsi %scan3A_23, %jit3A : i32
      %sign3A = arith.constant 0 : i32
      %sign3A_25 = arith.cmpi sgt, %scan3A_23, %sign3A : i32
      %sign3A_26 = arith.extui %sign3A_25 : i1 to i32
      %sign3A_27 = arith.constant 0 : i32
      %sign3A_28 = arith.cmpi slt, %scan3A_23, %sign3A_27 : i32
      %sign3A_29 = arith.extui %sign3A_28 : i1 to i32
      %sign3A_30 = arith.subi %sign3A_26, %sign3A_29 : i32
      %sign3A_31 = arith.constant 0 : i32
      %sign3A_32 = arith.cmpi sgt, %jit3A, %sign3A_31 : i32
      %sign3A_33 = arith.extui %sign3A_32 : i1 to i32
      %sign3A_34 = arith.constant 0 : i32
      %sign3A_35 = arith.cmpi slt, %jit3A, %sign3A_34 : i32
      %sign3A_36 = arith.extui %sign3A_35 : i1 to i32
      %sign3A_37 = arith.subi %sign3A_33, %sign3A_36 : i32
      %ne3A = arith.cmpi ne, %sign3A_30, %sign3A_37 : i32
      %rem3A = arith.remsi %scan3A_23, %jit3A : i32
      %ne3A_38 = arith.constant 0 : i32
      %ne3A_39 = arith.cmpi ne, %rem3A, %ne3A_38 : i32
      %and3A = arith.andi %ne3A, %ne3A_39 : i1
      %sub3A = arith.constant 1 : i32
      %sub3A_40 = arith.subi %div3A, %sub3A : i32
      %select_n3A = arith.select %and3A, %sub3A_40, %div3A : i32
      %jit3A_41 = arith.constant 4 : i32
      %eq3A = arith.constant 0 : i32
      %eq3A_42 = arith.cmpi eq, %jit3A_41, %eq3A : i32
      %jit3A_43 = arith.constant 1 : i32
      %select_n3A_44 = arith.select %eq3A_42, %jit3A_43, %jit3A_41 : i32
      %rem3A_45 = arith.remsi %scan3A_23, %select_n3A_44 : i32
      %ne3A_46 = arith.constant 0 : i32
      %ne3A_47 = arith.cmpi ne, %rem3A_45, %ne3A_46 : i32
      %lt3A = arith.constant 0 : i32
      %lt3A_48 = arith.cmpi slt, %rem3A_45, %lt3A : i32
      %lt3A_49 = arith.constant 0 : i32
      %lt3A_50 = arith.cmpi slt, %select_n3A_44, %lt3A_49 : i32
      %ne3A_51 = arith.xori %lt3A_48, %lt3A_50 : i1
      %and3A_52 = arith.andi %ne3A_51, %ne3A_47 : i1
      %add3A_53 = arith.addi %rem3A_45, %select_n3A_44 : i32
      %select_n3A_54 = arith.select %and3A_52, %add3A_53, %rem3A_45 : i32
      %mul3A_55 = arith.constant 128 : i32
      %mul3A_56 = arith.muli %select_n3A_54, %mul3A_55 : i32
      %mul3A_57 = arith.constant 128 : i32
      %mul3A_58 = arith.muli %select_n3A_54, %mul3A_57 : i32
      %dma_wait3A = tpu.memref_slice %arg6[%select_n3A, %mul3A_58] : memref<64x512xf32, #tpu.memory_space<vmem>> -> memref<1x128xf32, #tpu.memory_space<vmem>>
      %dma_wait3A_59 = tpu.memref_squeeze %dma_wait3A : memref<1x128xf32, #tpu.memory_space<vmem>> -> memref<128xf32, #tpu.memory_space<vmem>>
      %dma_wait3A_60 = tpu.memref_slice %arg5[%select_n3A, %mul3A_56] : memref<64x512xi32, #tpu.memory_space<vmem>> -> memref<1x128xi32, #tpu.memory_space<vmem>>
      %dma_wait3A_61 = tpu.memref_squeeze %dma_wait3A_60 : memref<1x128xi32, #tpu.memory_space<vmem>> -> memref<128xi32, #tpu.memory_space<vmem>>
      %dma_wait3A_62 = arith.constant 0 : i32
      %dma_wait3A_63 = tpu.memref_slice %arg2[%dma_wait3A_62] : memref<128000000xf32, #tpu.memory_space<hbm>> -> memref<128000000xf32, #tpu.memory_space<hbm>>
      tpu.wait_indirect_dma semaphore(%arg7 : memref<!tpu.dma_semaphore, #tpu.memory_space<semaphore_mem>>) src(%dma_wait3A_63 : memref<128000000xf32, #tpu.memory_space<hbm>>) dst(%dma_wait3A_59 : memref<128xf32, #tpu.memory_space<vmem>>)
      %scan3A_64 = arith.constant 0 : i32
      scf.yield %scan3A_64 : i32
    }
    %scan3A_22 = arith.constant 256 : i32
    "tpu.region"() ({
      %run_scoped3A = tpu.sem_alloc : memref<!tpu.dma_semaphore, #tpu.memory_space<semaphore_mem>>
      %dma_start3A = arith.constant 0 : i32
      %dma_start3A_23 = tpu.memref_slice %arg4[%dma_start3A, %mul3A_2] : memref<64x16384xf32, #tpu.memory_space<hbm>> -> memref<64x512xf32, #tpu.memory_space<hbm>>
      %dma_start3A_24 = arith.constant 0 : i32
      %dma_start3A_25 = tpu.memref_slice %arg4[%dma_start3A_24, %mul3A_2] : memref<64x16384xf32, #tpu.memory_space<hbm>> -> memref<64x512xf32, #tpu.memory_space<hbm>>
      tpu.enqueue_dma source(%arg6 : memref<64x512xf32, #tpu.memory_space<vmem>>) target(%dma_start3A_25 : memref<64x512xf32, #tpu.memory_space<hbm>>) target_semaphore(%run_scoped3A : memref<!tpu.dma_semaphore, #tpu.memory_space<semaphore_mem>>)
      %dma_wait3A = arith.constant 0 : i32
      %dma_wait3A_26 = tpu.memref_slice %arg4[%dma_wait3A, %mul3A_2] : memref<64x16384xf32, #tpu.memory_space<hbm>> -> memref<64x512xf32, #tpu.memory_space<hbm>>
      %dma_wait3A_27 = arith.constant 0 : i32
      %dma_wait3A_28 = tpu.memref_slice %arg4[%dma_wait3A_27, %mul3A_2] : memref<64x16384xf32, #tpu.memory_space<hbm>> -> memref<64x512xf32, #tpu.memory_space<hbm>>
      tpu.wait_dma2 semaphore(%run_scoped3A : memref<!tpu.dma_semaphore, #tpu.memory_space<semaphore_mem>>) src(%arg6 : memref<64x512xf32, #tpu.memory_space<vmem>>) dst(%dma_wait3A_28 : memref<64x512xf32, #tpu.memory_space<hbm>>)
      tpu.yield
    }) : () -> ()
    return
  }
}

module attributes {stable_mosaic.version = 14 : i64} {
  func.func @_pad_xpose_body(%arg0: i32, %arg1: memref<64x2048xf32, #tpu.memory_space<vmem>>, %arg2: memref<2048x128xf32, #tpu.memory_space<vmem>>) attributes {dimension_semantics = [#tpu.dimension_semantics<arbitrary>], iteration_bounds = array<i64: 489>, scalar_prefetch = 0 : i64, scratch_operands = 0 : i64, tpu.core_type = #tpu.core_type<tc>, window_params = [{transform_indices = @transform_0, window_bounds = array<i64: 64, 2048>}, {transform_indices = @transform_1, window_bounds = array<i64: 2048, 128>}]} {
    %get3A = arith.constant 0 : index
    %get3A_0 = arith.constant 0 : index
    %get3A_1 = vector.load %arg1[%get3A, %get3A_0] : memref<64x2048xf32, #tpu.memory_space<vmem>>, vector<64x2048xf32>
    %transpose3A = tpu.transpose %get3A_1, [1, 0] : vector<64x2048xf32> -> vector<2048x64xf32>
    %broadcast_in_dim3A = arith.constant 0.000000e+00 : f32
    %broadcast_in_dim3A_2 = vector.broadcast %broadcast_in_dim3A : f32 to vector<2048x64xf32>
    %concatenate3A = tpu.concatenate %transpose3A, %broadcast_in_dim3A_2 in 1 : vector<2048x64xf32>, vector<2048x64xf32> -> vector<2048x128xf32>
    %swap3A = arith.constant 0 : index
    %swap3A_3 = arith.constant 0 : index
    %swap3A_4 = vector.load %arg2[%swap3A, %swap3A_3] : memref<2048x128xf32, #tpu.memory_space<vmem>>, vector<2048x128xf32>
    tpu.vector_store %arg2[%swap3A, %swap3A_3], %concatenate3A {strides = array<i32>} : memref<2048x128xf32, #tpu.memory_space<vmem>>, vector<2048x128xf32>,
    return
  }
  func.func @transform_0(%arg0: i32) -> (i32, i32) {
    %c0_i32 = arith.constant 0 : i32
    %c0_i32_0 = arith.constant 0 : i32
    return %c0_i32, %arg0 : i32, i32
  }
  func.func @transform_1(%arg0: i32) -> (i32, i32) {
    %c0_i32 = arith.constant 0 : i32
    %c0_i32_0 = arith.constant 0 : i32
    return %arg0, %c0_i32 : i32, i32
  }
}

</mosaic_0001>

<sc_bundles>
// kernel: kernel.4.cloned.1.call-start
scs
__scs_entry_jumppad:
0x0: {  	(pc) =	sbr.rel $0x88, $3  }
0x1: {  	(tag) =	ssettag $0x0;
	lr =	simm.s32 $0x1  }
0x2: {  	[smem:$0x3F9F] =	sst lr;
	_ =	strace $0xD0000000  }
0x3: {  	_ = 	snop  }
0x4: {  	_ = 	snop  }
0x5: {  	_ = 	snop  }
0x6: {  	_ = 	snop  }
0x7: {  	_ = 	snop  }
__scs_overlays_trampoline_lowered:
0x8: {  	[smem:$0x3FAE] =	sst s0  }
0x9: {  	[smem:$0x3FAF] =	sst s1  }
0xa: {  	[smem:$0x3FB0] =	sst s2  }
0xb: {  	[smem:$0x3FB1] =	sst s3  }
0xc: {  	[smem:$0x3FB2] =	sst s4  }
0xd: {  	[smem:$0x3FB3] =	sst s5  }
0xe: {  	[smem:$0x3FB4] =	sst s6  }
0xf: {  	[smem:$0x3FB5] =	sst s7  }
0x10: {  	[smem:$0x3FB6] =	sst s8  }
0x11: {  	[smem:$0x3FB7] =	sst s9;
	s0 =	simm.s32 @!p0 $0x0  }
0x12: {  	s1 =	sld [smem:$0x3F9D];
	s0 =	simm.s32 @p0 $0x1  }
0x13: {  	[smem:$0x3FB8] =	sst s0;
	s0 =	simm.s32 @!p1 $0x0  }
0x14: {  	s2 =	sld [smem:$0x3F9C];
	s0 =	simm.s32 @p1 $0x1  }
0x15: {  	[smem:$0x3FB9] =	sst s0;
	s0 =	simm.s32 @!p2 $0x0  }
0x16: {  	s3 =	sld [smem:$0x3FDB];
	s0 =	simm.s32 @p2 $0x1  }
0x17: {  	s4 =	simm.s32 $0x1BF5;
	[smem:$0x3FBB] =	sst s0  }
0x18: {  	s0 =	sld [smem:$0x3F9E];
	_ =	swait.ge [sflag:s4], $0x0  }
0x19: {  	s7 =	sld [smem:$0x3F9F]  }
0x1a: {  	s8 =	sadd.s32 $0xFFFFE003, lr  }
0x1b: {  	s9 =	sadd.s32 $0xFFFFFEF7, lr;
	s5 =	simm.s32 $0xFFFFFFFF;
	p2 =	slt.u32 s8, $0xFFFFF086  }
0x1c: {  	p1 =	slt.u32 s9, $0xF7A;
	s5 =	simm.s32 @!p2 $0x0  }
0x1d: {  	s5 =	simm.s32 @p1 $0x1;
	p0 =	seq.s32 s7, s2  }
0x1e: {  	s7 =	smul.u32 @!p0 $0xF7A, s2;
	p2 =	seq.s32 @!p0 s5, $0x0  }
0x1f: {  	s9 =	smul.u32 $0xF7A, s1;
	s8 =	simm.s32 @!p0 $0x1BF5;
	p2 =	por !p2, p0  }
0x20: {  	[sflag:s8] =	ssyncset.s32 @!p0 $0xFFFFF086;
	s6 =	sadd.s32 @!p0 s3, s7;
	s7 =	simm.s32 @!p0 $0x108  }
0x21: {  	s3 =	sadd.s32 s3, s9;
	s6 =	sadd.s32 @!p0 $0x88, s6;
	s7 =	simm.s32 @p2 $0x1082  }
0x22: {  	[simem:s7], [sflag:s8] =	dma.local @!p0 [hbm:s6], $0xF7A  }
0x23: {  	s9 =	sor.u32 $0xD0000000, s2;
	s6 =	simm.s32 $0x108;
	_ =	swait.ge @!p0 [sflag:s8], $0x0  }
0x24: {  	s3 =	sadd.s32 $0x88, s3;
	s6 =	simm.s32 @!p1 $0x1082;
	[sflag:s4] =	ssyncset.s32 $0xFFFFF086  }
0x25: {  	[simem:s6], [sflag:s4] =	dma.local [hbm:s3], $0xF7A  }
0x26: {  	[smem:$0x3F9F] =	sst s1;
	(tag) =	ssettag s2;
	_ =	strace s9  }
0x27: {  	s1 =	sld [smem:$0x3FAF]  }
0x28: {  	s2 =	sld [smem:$0x3FB0]  }
0x29: {  	s4 =	sld [smem:$0x3FB2]  }
0x2a: {  	p0 =	seq.s32 s5, $0x0;
	s5 =	sld [smem:$0x3FB3]  }
0x2b: {  	s6 =	sld [smem:$0x3FB4]  }
0x2c: {  	s7 =	sld [smem:$0x3FB5]  }
0x2d: {  	s3 =	simm.s32 $0x108;
	s8 =	sld [smem:$0x3FB6]  }
0x2e: {  	s3 =	simm.s32 @!p0 $0x1082;
	s9 =	sld [smem:$0x3FB7]  }
0x2f: {  	lr =	sadd.s32 s0, s3;
	s0 =	sld [smem:$0x3FAE]  }
0x30: {  	s3 =	sld [smem:$0x3FB1]  }
0x31: {  	[smem:$0x3FBA] =	sst s10  }
0x32: {  	s10 =	sld [smem:$0x3FB8];
	_ =	sdelay $0x3  }
0x33: {  	p0 =	seq.s32 s10, $0x1;
	s10 =	sld [smem:$0x3FBA];
	_ =	sdelay $0x3  }
0x34: {  	[smem:$0x3FBA] =	sst s10  }
0x35: {  	s10 =	sld [smem:$0x3FB9];
	_ =	sdelay $0x3  }
0x36: {  	p1 =	seq.s32 s10, $0x1;
	s10 =	sld [smem:$0x3FBA];
	_ =	sdelay $0x3  }
0x37: {  	[smem:$0x3FBA] =	sst s10  }
0x38: {  	s10 =	sld [smem:$0x3FBB]  }
0x39: {  	_ = 	snop;
	(pc) =	sbr.ind lr, $3  }
0x3a: {  	_ = 	snop  }
0x3b: {  	_ = 	snop  }
0x3c: {  	p2 =	seq.s32 s10, $0x1;
	s10 =	sld [smem:$0x3FBA]  }
0x3d: {  	_ =	shalt  }
0x3e: {  	_ =	shalt  }
0x3f: {  	_ =	shalt  }
0x40: {  	_ =	shalt  }
0x41: {  	_ =	shalt  }
0x42: {  	_ =	shalt  }
0x43: {  	_ =	shalt  }
0x44: {  	_ =	shalt  }
0x45: {  	_ =	shalt  }
0x46: {  	_ =	shalt  }
0x47: {  	_ =	shalt  }
0x48: {  	_ =	shalt  }
0x49: {  	_ =	shalt  }
0x4a: {  	_ =	shalt  }
0x4b: {  	_ =	shalt  }
0x4c: {  	_ =	shalt  }
0x4d: {  	_ =	shalt  }
0x4e: {  	_ =	shalt  }
0x4f: {  	_ =	shalt  }
0x50: {  	_ =	shalt  }
0x51: {  	_ =	shalt  }
0x52: {  	_ =	shalt  }
0x53: {  	_ =	shalt  }
0x54: {  	_ =	shalt  }
0x55: {  	_ =	shalt  }
0x56: {  	_ =	shalt  }
0x57: {  	_ =	shalt  }
0x58: {  	_ =	shalt  }
0x59: {  	_ =	shalt  }
0x5a: {  	_ =	shalt  }
0x5b: {  	_ =	shalt  }
0x5c: {  	_ =	shalt  }
0x5d: {  	_ =	shalt  }
0x5e: {  	_ =	shalt  }
0x5f: {  	_ =	shalt  }
0x60: {  	_ =	shalt  }
0x61: {  	_ =	shalt  }
0x62: {  	_ =	shalt  }
0x63: {  	_ =	shalt  }
0x64: {  	_ =	shalt  }
0x65: {  	_ =	shalt  }
0x66: {  	_ =	shalt  }
0x67: {  	_ =	shalt  }
0x68: {  	_ =	shalt  }
0x69: {  	_ =	shalt  }
0x6a: {  	_ =	shalt  }
0x6b: {  	_ =	shalt  }
0x6c: {  	_ =	shalt  }
0x6d: {  	_ =	shalt  }
0x6e: {  	_ =	shalt  }
0x6f: {  	_ =	shalt  }
0x70: {  	_ =	shalt  }
0x71: {  	_ =	shalt  }
0x72: {  	_ =	shalt  }
0x73: {  	_ =	shalt  }
0x74: {  	_ =	shalt  }
0x75: {  	_ =	shalt  }
0x76: {  	_ =	shalt  }
0x77: {  	_ =	shalt  }
0x78: {  	_ =	shalt  }
0x79: {  	_ =	shalt  }
0x7a: {  	_ =	shalt  }
0x7b: {  	_ =	shalt  }
0x7c: {  	_ =	shalt  }
0x7d: {  	_ =	shalt  }
0x7e: {  	_ =	shalt  }
0x7f: {  	_ =	shalt  }
0x80: {  	_ =	shalt  }
0x81: {  	_ =	shalt  }
0x82: {  	_ =	shalt  }
0x83: {  	_ =	shalt  }
0x84: {  	_ =	shalt  }
0x85: {  	_ =	shalt  }
0x86: {  	_ =	shalt  }
0x87: {  	_ =	shalt  }
.Lfunc_end0:
.L_simem_size_0:
called_computation_lowered:
.L_overlay_start_0:
0x88: {  	s2 =	sld [smem:$0x3FD9]  }
0x89: {  	s3 =	sld [smem:$0x3FFE];
	_ =	sdelay $0x1  }
0x8a: {  	s1 =	srdreg.scid  }
0x8b: {  	s0 =	sand.u32 $0x1, s1  }
0x8c: {  	s17 =	sshll.u32 s0, $0xA;
	s2 =	sadd.s32 s3, s2  }
0x8d: {  	s2 =	sadd.s32 s2, s17  }
0x8e: {  	[smem:$0x3FC6] =	sst s2  }
0x8f: {  	_ = 	snop  }
0x90: {  	s2 =	sld [smem:$0x3FC8]  }
0x91: {  	s18 =	sld [smem:$0x3FD0];
	(tm) =	ssettm $0x1  }
0x92: {  	s4 =	sld [smem:$0x3FFB];
	_ =	sdelay $0x3  }
0x93: {  	_ =	strace s4  }
0x94: {  	s4 =	sld [smem:$0x3FFC];
	_ =	sdelay $0x3  }
0x95: {  	_ =	strace s4  }
0x96: {  	s4 =	sld [smem:$0x3FFD];
	_ =	sdelay $0x3  }
0x97: {  	_ =	strace s4  }
0x98: {  	_ =	strace $0x8FFFFFFF  }
0x99: {  	s19 =	sld [smem:$0x3FDB];
	_ =	sdelay $0x1  }
0x9a: {  	s5 =	simm.s32 $_scs_section_size  }
0x9b: {  	s6 =	simm.s32 $_size__tile_overlayer_lowered;
	s7 =	simm.s32 $_tile_overlayer_lowered  }
0x9c: {  	s22 =	simm.s32 $0x1BFF;
	s21 =	sshll.u32 s7, $0x1;
	s4 =	sadd.s32 s5, s19  }
0x9d: {  	s8 =	simm.s32 $0x0;
	s20 =	sshll.u32 s6, $0x1;
	s6 =	sadd.s32 s21, s4  }
0x9e: {  	[timem:s8], [sflag:s22] =	dma.local [hbm:s6], s20  }
0x9f: {  	_ =	swait.ge [sflag:s22], s20  }
0xa0: {  	s5 =	ssub.s32 $0x0, s20;
	[sflag:s22] =	ssyncset.done $0x0  }
0xa1: {  	[sflag:s22] =	ssyncadd.s32 s5;
	_ =	sdelay $0x1  }
0xa2: {  	s23 =	simm.s32 $0x1B8B  }
0xa3: {  	_ =	swait.ge [sflag:s23], $0x1  }
0xa4: {  	[sflag:s23] =	ssyncset.done $0x0  }
0xa5: {  	s25 =	simm.s32 $0x1B8E;
	s24 =	sld [smem:$0x3FFE];
	[sflag:s23] =	ssyncadd.s32 $0xFFFFFFFF  }
0xa6: {  	s26 =	simm.s32 $execute0_lowered;
	[smem:$0x3FD2] =	sst s25  }
0xa7: {  	s6 =	sshll.u32 s26, $0x1;
	_ =	strace $0x80000046;
	[dreg:$0x1] =	wrdreg $0xFFFFFFFF  }
0xa8: {  	s28 =	simm.s32 $_size_execute0_lowered;
	s4 =	sadd.s32 s4, s6;
	[dreg:$0x0] =	wrdreg $0x0  }
0xa9: {  	s6 =	sshll.u32 s28, $0x1;
	[dreg:$0x2] =	wrdreg s4  }
0xaa: {  	[dreg:$0x3] =	wrdreg s6  }
0xab: {  	[dreg:$0x4] =	wrdreg $0xC0  }
0xac: {  	_ =	task [dreg:s8], $0x5FFFF  }
0xad: {  	[dreg:$0x1] =	wrdreg $0xFFFFFFFF  }
0xae: {  	[dreg:$0x0] =	wrdreg $0x60  }
0xaf: {  	[dreg:$0x2] =	wrdreg s24  }
0xb0: {  	[dreg:$0x3] =	wrdreg s2  }
0xb1: {  	[dreg:$0x4] =	wrdreg s18  }
0xb2: {  	[dreg:$0x5] =	wrdreg $0x9  }
0xb3: {  	_ =	task.clear_ibuf [dreg:s8], $0x6FFFF;
	_ =	strace $0x90000046  }
0xb4: {  	s29 =	simm.s32 $0x9;
	_ =	strace $0x80000048  }
0xb5: {  	_ =	swait.ge [sflag:s29], $0x1  }
0xb6: {  	[sflag:s29] =	ssyncadd.s32 $0xFFFFFFFF  }
0xb7: {  	_ =	strace $0x90000048  }
0xb8: {  	_ =	sfence  }
0xb9: {  	s30 =	sld [smem:$0x0];
	_ =	sdelay $0x2  }
0xba: {  	s31 =	sshll.u32 s1, $0xD;
	s1 =	sshrl.u32 s1, $0x2  }
0xbb: {  	s3 =	sand.u32 $0x4000, s31;
	s1 =	sadd.s32 s1, s30  }
0xbc: {  	s0 =	sor.u32 s3, s0;
	s1 =	sshll.u32 s1, $0x11  }
0xbd: {  	s0 =	sor.u32 s1, s0  }
0xbe: {  	s0 =	sadd.s32 $0x8F2B, s0  }
0xbf: {  	[sflag:s0] =	ssyncadd.remote.s32 $0x1  }
0xc0: {  	_ =	sfence.sel $0xFFFF  }
0xc1: {  	[dreg:$0x0] =	wrdreg $0xFFFFFFFF;
	(pc) =	sbr.abs _section_cstart, $3  }
0xc2: {  	[dreg:$0x1] =	wrdreg $0xFFFFFFFF  }
0xc3: {  	_ =	task.clear_ibuf [dreg:s8], $0x2FFFF;
	_ =	strace $0x9FFFFFFF  }
0xc4: {  	(tm) =	ssettm $0x7FFFFFFF  }
0xc5: {  	_ =	shalt  }
tec
execute0_lowered:
.L_overlay_start_1:
0x0: {  	(tag) =	ssettag $0x1  }
0x1: {  	s3 =	rddreg [dreg:$0x0]  }
0x2: {  	s4 =	rddreg [dreg:$0x1]  }
0x3: {  	s5 =	rddreg [dreg:$0x2]  }
0x4: {  	s0 =	rddreg [dreg:$0x3];
	s2 =	simm.s32 $0x0;
	s6 =	srdreg.scid  }
0x5: {  	s1 =	stileid.u32;
	s10 =	simm.s32 $0x80;
	s11 =	simm.s32 $0x1  }
0x6: {  	s12 =	simm.s32 $0x8000;
	s13 =	simm.s32 $0x0;
	[smem:$0x7FF] =	sst s2  }
0x7: {  	s6 =	sand.u32 $0x1, s6;
	s8 =	sshll.u32 s1, $0xA;
	s3 =	sadd.s32 $0x400, s3  }
0x8: {  	s7 =	ssub.s32 $0x2, s6;
	s6 =	sshll.u32 s6, $0x9;
	_ =	strace $0x80000047  }
0x9: {  	s9 =	sshrl.u32 s7, $0x1;
	s6 =	sor.u32 s6, s8;
	s8 =	simm.s32 $0x20000  }
0xa: {  	s7 =	ssub.s32 s7, s9;
	s4 =	sadd.s32 s4, s6;
	s5 =	sadd.s32 s5, s6  }
0xb: {  	s9 =	simm.s32 $0x2;
	s6 =	smax.u32 s7, $0x1;
	s7 =	simm.s32 $0x1000  }
.LBB2_1:
0xc: {  	[tilespmem:s2], [sflag:$0x2] =	stream.strided.gather [hbm4b:s4+s7], $0x8000, s8, s7, $0x38;
	[tilespmem:$0x10000] =	vst v63  }
0xd: {  	_ =	swait.ge [sflag:s9], $0x8000  }
0xe: {  	s14 =	sand.u32 $0x7000, s2;
	s15 =	sand.u32 $0x380, s2;
	[sflag:s9] =	ssyncset.done $0x0  }
0xf: {  	s14 =	sor.u32 s15, s14;
	[sflag:s9] =	ssyncadd.s32 $0xFFFF8000  }
0x10: {  	v0 =	vld [tilespmem:s14+$0x0]  }
0x11: {  	v1 =	vld [tilespmem:s14+$0x10]  }
0x12: {  	v2 =	vld [tilespmem:s14+$0x20]  }
0x13: {  	v3 =	vld [tilespmem:s14+$0x30]  }
0x14: {  	v4 =	vld [tilespmem:s14+$0x40]  }
0x15: {  	v5 =	vld [tilespmem:s14+$0x50];
	v0 =	vshll.u32 v0, $0x7  }
0x16: {  	v6 =	vld [tilespmem:s14+$0x60];
	v1 =	vshll.u32 v1, $0x7;
	v0 =	vadd.s32 s2, v0  }
0x17: {  	[tilespmem:s14+$0x0] =	vst v0;
	v0 =	vadd.s32 s2, v1;
	v1 =	vshll.u32 v2, $0x7;
	v2 =	vld [tilespmem:s14+$0x70]  }
0x18: {  	[tilespmem:s14+$0x10] =	vst v0;
	v0 =	vadd.s32 s2, v1;
	v1 =	vshll.u32 v3, $0x7;
	v3 =	vld [tilespmem:s14+$0x400]  }
0x19: {  	[tilespmem:s14+$0x20] =	vst v0;
	v0 =	vadd.s32 s2, v1;
	v1 =	vshll.u32 v4, $0x7;
	v4 =	vld [tilespmem:s14+$0x410]  }
0x1a: {  	[tilespmem:s14+$0x30] =	vst v0;
	v0 =	vadd.s32 s2, v1;
	v1 =	vshll.u32 v5, $0x7;
	v5 =	vld [tilespmem:s14+$0x420]  }
0x1b: {  	[tilespmem:s14+$0x40] =	vst v0;
	v0 =	vadd.s32 s2, v1;
	v1 =	vshll.u32 v6, $0x7;
	v6 =	vld [tilespmem:s14+$0x430]  }
0x1c: {  	[tilespmem:s14+$0x50] =	vst v0;
	v0 =	vadd.s32 s2, v1;
	v1 =	vshll.u32 v2, $0x7;
	v2 =	vld [tilespmem:s14+$0x440]  }
0x1d: {  	[tilespmem:s14+$0x60] =	vst v0;
	v0 =	vadd.s32 s2, v1;
	v1 =	vshll.u32 v3, $0x7;
	v3 =	vld [tilespmem:s14+$0x450]  }
0x1e: {  	[tilespmem:s14+$0x70] =	vst v0;
	v0 =	vadd.s32 s2, v1;
	v1 =	vshll.u32 v4, $0x7;
	v4 =	vld [tilespmem:s14+$0x460]  }
0x1f: {  	[tilespmem:s14+$0x400] =	vst v0;
	v0 =	vadd.s32 s2, v1;
	v1 =	vshll.u32 v5, $0x7;
	v5 =	vld [tilespmem:s14+$0x470]  }
0x20: {  	[tilespmem:s14+$0x410] =	vst v0;
	v0 =	vadd.s32 s2, v1;
	v1 =	vshll.u32 v6, $0x7;
	v6 =	vld [tilespmem:s14+$0x800]  }
0x21: {  	[tilespmem:s14+$0x420] =	vst v0;
	v0 =	vadd.s32 s2, v1;
	v1 =	vshll.u32 v2, $0x7;
	v2 =	vld [tilespmem:s14+$0x810]  }
0x22: {  	[tilespmem:s14+$0x430] =	vst v0;
	v0 =	vadd.s32 s2, v1;
	v1 =	vshll.u32 v3, $0x7;
	v3 =	vld [tilespmem:s14+$0x820]  }
0x23: {  	[tilespmem:s14+$0x440] =	vst v0;
	v0 =	vadd.s32 s2, v1;
	v1 =	vshll.u32 v4, $0x7;
	v4 =	vld [tilespmem:s14+$0x830]  }
0x24: {  	[tilespmem:s14+$0x450] =	vst v0;
	v0 =	vadd.s32 s2, v1;
	v1 =	vshll.u32 v5, $0x7;
	v5 =	vld [tilespmem:s14+$0x840]  }
0x25: {  	[tilespmem:s14+$0x460] =	vst v0;
	v0 =	vadd.s32 s2, v1;
	v1 =	vshll.u32 v6, $0x7;
	v6 =	vld [tilespmem:s14+$0x850]  }
0x26: {  	[tilespmem:s14+$0x470] =	vst v0;
	v0 =	vadd.s32 s2, v1;
	v1 =	vshll.u32 v2, $0x7;
	v2 =	vld [tilespmem:s14+$0x860]  }
0x27: {  	v7 =	vld [tilespmem:s14+$0x870];
	[tilespmem:s14+$0x800] =	vst v0;
	v0 =	vadd.s32 s2, v1;
	v1 =	vshll.u32 v3, $0x7  }
0x28: {  	[tilespmem:s14+$0x810] =	vst v0;
	v0 =	vadd.s32 s2, v1;
	v1 =	vshll.u32 v4, $0x7;
	v4 =	vld [tilespmem:s14+$0xC00]  }
0x29: {  	v3 =	vld [tilespmem:s14+$0xC10];
	[tilespmem:s14+$0x820] =	vst v0;
	v0 =	vadd.s32 s2, v1;
	v1 =	vshll.u32 v5, $0x7  }
0x2a: {  	[tilespmem:s14+$0x830] =	vst v0;
	v0 =	vadd.s32 s2, v1;
	v5 =	vshll.u32 v6, $0x7;
	v1 =	vld [tilespmem:s14+$0xC20]  }
0x2b: {  	[tilespmem:s14+$0x840] =	vst v0;
	v5 =	vadd.s32 s2, v5;
	v2 =	vshll.u32 v2, $0x7;
	v0 =	vld [tilespmem:s14+$0xC30]  }
0x2c: {  	s16 =	simm.s32 $0x80;
	v6 =	vshll.u32 v7, $0x7;
	[tilespmem:s14+$0x850] =	vst v5;
	v5 =	vadd.s32 s2, v2;
	v2 =	vld [tilespmem:s14+$0xC40]  }
0x2d: {  	s17 =	simm.s32 $0x200;
	s18 =	simm.s32 $0x1;
	s15 =	simm.s32 $0x0;
	[tilespmem:s14+$0x860] =	vst v5;
	v5 =	vadd.s32 s2, v6;
	v6 =	vshll.u32 v4, $0x7;
	v4 =	vld [tilespmem:s14+$0xC50]  }
.LBB2_2:
0x2e: {  	s19 =	sand.u32 $0x7000, s17;
	s20 =	sand.u32 $0x380, s16;
	p0 =	sne.s32 s18, $0x3F;
	[tilespmem:s14+$0x870] =	vst v5;
	v5 =	vadd.s32 s15, v6;
	v3 =	vshll.u32 v3, $0x7;
	v6 =	vld [tilespmem:s14+$0xC60]  }
0x2f: {  	s19 =	sor.u32 s20, s19;
	[tilespmem:s14+$0xC00] =	vst v5;
	v3 =	vadd.s32 s15, v3;
	v1 =	vshll.u32 v1, $0x7;
	v5 =	vld [tilespmem:s14+$0xC70]  }
0x30: {  	v7 =	vld [tilespmem:s19+$0x0];
	[tilespmem:s14+$0xC10] =	vst v3;
	v1 =	vadd.s32 s15, v1;
	v0 =	vshll.u32 v0, $0x7  }
0x31: {  	v3 =	vld [tilespmem:s19+$0x10];
	[tilespmem:s14+$0xC20] =	vst v1;
	v0 =	vadd.s32 s15, v0;
	v1 =	vshll.u32 v2, $0x7  }
0x32: {  	v2 =	vld [tilespmem:s19+$0x20];
	[tilespmem:s14+$0xC30] =	vst v0;
	v0 =	vadd.s32 s15, v1;
	v1 =	vshll.u32 v4, $0x7  }
0x33: {  	v4 =	vld [tilespmem:s19+$0x30];
	[tilespmem:s14+$0xC40] =	vst v0;
	v0 =	vadd.s32 s15, v1;
	v1 =	vshll.u32 v6, $0x7  }
0x34: {  	v6 =	vld [tilespmem:s19+$0x40];
	[tilespmem:s14+$0xC50] =	vst v0;
	v0 =	vadd.s32 s15, v1;
	v1 =	vshll.u32 v5, $0x7  }
0x35: {  	v5 =	vshll.u32 v7, $0x7;
	v7 =	vld [tilespmem:s19+$0x50];
	[tilespmem:s14+$0xC60] =	vst v0;
	v0 =	vadd.s32 s15, v1;
	s15 =	smov.u32 s18  }
0x36: {  	v1 =	vadd.s32 s18, v5;
	v3 =	vshll.u32 v3, $0x7;
	v5 =	vld [tilespmem:s19+$0x60];
	[tilespmem:s14+$0xC70] =	vst v0;
	s14 =	smov.u32 s19  }
0x37: {  	[tilespmem:s14+$0x0] =	vst v1;
	v0 =	vadd.s32 s18, v3;
	v1 =	vshll.u32 v2, $0x7;
	v2 =	vld [tilespmem:s14+$0x70]  }
0x38: {  	[tilespmem:s14+$0x10] =	vst v0;
	v0 =	vadd.s32 s18, v1;
	v1 =	vshll.u32 v4, $0x7;
	v3 =	vld [tilespmem:s14+$0x400]  }
0x39: {  	[tilespmem:s14+$0x20] =	vst v0;
	v0 =	vadd.s32 s18, v1;
	v1 =	vshll.u32 v6, $0x7;
	v4 =	vld [tilespmem:s14+$0x410]  }
0x3a: {  	[tilespmem:s14+$0x30] =	vst v0;
	v0 =	vadd.s32 s18, v1;
	v1 =	vshll.u32 v7, $0x7;
	v6 =	vld [tilespmem:s14+$0x420]  }
0x3b: {  	[tilespmem:s14+$0x40] =	vst v0;
	v0 =	vadd.s32 s18, v1;
	v1 =	vshll.u32 v5, $0x7;
	v5 =	vld [tilespmem:s14+$0x430]  }
0x3c: {  	[tilespmem:s14+$0x50] =	vst v0;
	v0 =	vadd.s32 s18, v1;
	v1 =	vshll.u32 v2, $0x7;
	v2 =	vld [tilespmem:s14+$0x440]  }
0x3d: {  	[tilespmem:s14+$0x60] =	vst v0;
	v0 =	vadd.s32 s18, v1;
	v1 =	vshll.u32 v3, $0x7;
	v3 =	vld [tilespmem:s14+$0x450]  }
0x3e: {  	[tilespmem:s14+$0x70] =	vst v0;
	v0 =	vadd.s32 s18, v1;
	v1 =	vshll.u32 v4, $0x7;
	v4 =	vld [tilespmem:s14+$0x460]  }
0x3f: {  	[tilespmem:s14+$0x400] =	vst v0;
	v0 =	vadd.s32 s18, v1;
	v1 =	vshll.u32 v6, $0x7;
	v6 =	vld [tilespmem:s14+$0x470]  }
0x40: {  	[tilespmem:s14+$0x410] =	vst v0;
	v0 =	vadd.s32 s18, v1;
	v1 =	vshll.u32 v5, $0x7;
	v5 =	vld [tilespmem:s14+$0x800]  }
0x41: {  	[tilespmem:s14+$0x420] =	vst v0;
	v0 =	vadd.s32 s18, v1;
	v1 =	vshll.u32 v2, $0x7;
	v2 =	vld [tilespmem:s14+$0x810]  }
0x42: {  	[tilespmem:s14+$0x430] =	vst v0;
	v0 =	vadd.s32 s18, v1;
	v1 =	vshll.u32 v3, $0x7;
	v3 =	vld [tilespmem:s14+$0x820]  }
0x43: {  	[tilespmem:s14+$0x440] =	vst v0;
	v0 =	vadd.s32 s18, v1;
	v1 =	vshll.u32 v4, $0x7;
	v4 =	vld [tilespmem:s14+$0x830]  }
0x44: {  	[tilespmem:s14+$0x450] =	vst v0;
	v0 =	vadd.s32 s18, v1;
	v1 =	vshll.u32 v6, $0x7;
	v6 =	vld [tilespmem:s14+$0x840]  }
0x45: {  	[tilespmem:s14+$0x460] =	vst v0;
	v0 =	vadd.s32 s18, v1;
	v1 =	vshll.u32 v5, $0x7;
	v5 =	vld [tilespmem:s14+$0x850]  }
0x46: {  	[tilespmem:s14+$0x470] =	vst v0;
	v0 =	vadd.s32 s18, v1;
	v1 =	vshll.u32 v2, $0x7;
	v2 =	vld [tilespmem:s14+$0x860]  }
0x47: {  	[tilespmem:s14+$0x800] =	vst v0;
	v0 =	vadd.s32 s18, v1;
	v1 =	vshll.u32 v3, $0x7;
	v7 =	vld [tilespmem:s14+$0x870]  }
0x48: {  	[tilespmem:s14+$0x810] =	vst v0;
	v0 =	vadd.s32 s18, v1;
	v1 =	vshll.u32 v4, $0x7;
	v4 =	vld [tilespmem:s14+$0xC00]  }
.Ltmp0:
0x49: {  	[tilespmem:s14+$0x820] =	vst v0;
	v0 =	vadd.s32 s18, v1;
	v1 =	vshll.u32 v6, $0x7;
	v3 =	vld [tilespmem:s14+$0xC10];
	(pc) =	sbr.rel @p0 .LBB2_2-.Ltmp0, $4  }
0x4a: {  	[tilespmem:s14+$0x830] =	vst v0;
	v0 =	vadd.s32 s18, v1;
	v5 =	vshll.u32 v5, $0x7;
	v1 =	vld [tilespmem:s14+$0xC20]  }
0x4b: {  	[tilespmem:s14+$0x840] =	vst v0;
	v5 =	vadd.s32 s18, v5;
	v2 =	vshll.u32 v2, $0x7;
	v0 =	vld [tilespmem:s14+$0xC30]  }
0x4c: {  	[tilespmem:s14+$0x850] =	vst v5;
	v5 =	vadd.s32 s18, v2;
	v6 =	vshll.u32 v7, $0x7;
	v2 =	vld [tilespmem:s14+$0xC40]  }
0x4d: {  	s16 =	sadd.s32 $0x80, s16;
	s17 =	sadd.s32 $0x200, s17;
	s18 =	sadd.s32 $0x1, s18;
	[tilespmem:s14+$0x860] =	vst v5;
	v5 =	vadd.s32 s15, v6;
	v6 =	vshll.u32 v4, $0x7;
	v4 =	vld [tilespmem:s14+$0xC50]  }
0x4e: {  	[tilespmem:s14+$0x870] =	vst v5;
	v53 =	vadd.s32 s15, v6;
	v3 =	vshll.u32 v3, $0x7;
	v54 =	vld [tilespmem:s14+$0xC60]  }
0x4f: {  	v55 =	vld [tilespmem:s14+$0xC70];
	[tilespmem:s14+$0xC00] =	vst v53;
	v3 =	vadd.s32 s15, v3;
	v1 =	vshll.u32 v1, $0x7  }
0x50: {  	[tilespmem:s14+$0xC10] =	vst v3;
	v1 =	vadd.s32 s15, v1;
	v0 =	vshll.u32 v0, $0x7  }
0x51: {  	[tilespmem:s14+$0xC20] =	vst v1;
	v0 =	vadd.s32 s15, v0;
	v56 =	vshll.u32 v2, $0x7  }
0x52: {  	s16 =	simm.s32 $0x0;
	s17 =	simm.s32 $0x0;
	[tilespmem:s14+$0xC30] =	vst v0;
	v57 =	vadd.s32 s15, v56;
	v58 =	vshll.u32 v4, $0x7  }
0x53: {  	s18 =	simm.s32 $0x0;
	s17 =	sand.u32 $0x7000, s17;
	s16 =	sand.u32 $0xC00, s16;
	[tilespmem:s14+$0xC40] =	vst v57;
	v59 =	vadd.s32 s15, v58;
	v60 =	vshll.u32 v54, $0x7  }
0x54: {  	s31 =	sand.u32 $0x380, s18;
	s16 =	sor.u32 s16, s17;
	v62 =	vshll.u32 v55, $0x7;
	[tilespmem:s14+$0xC50] =	vst v59;
	v61 =	vadd.s32 s15, v60  }
0x55: {  	s16 =	sor.u32 s31, s16;
	v63 =	vadd.s32 s15, v62;
	[tilespmem:s14+$0xC60] =	vst v61  }
0x56: {  	s17 =	sor.u32 $0x8000, s16;
	s15 =	simm.s32 $0x400;
	[tilespmem:s14+$0xC70] =	vst v63;
	s14 =	simm.s32 $0x1  }
.LBB2_4:
0x57: {  	[tilespmem:s17], [sflag:$0x1] =	stream.indirect.gather [hbm4b:s3+s10], $0x1, s16, s10, $0xb8;
	[tilespmem:$0x10000] =	vst v63  }
0x58: {  	p0 =	sne.s32 s14, $0xFF  }
.Ltmp1:
0x59: {  	s16 =	sshll.u32 s14, $0x7;
	(pc) =	sbr.rel @p0 .LBB2_4-.Ltmp1, $4  }
0x5a: {  	s17 =	sand.u32 $0xC00, s15;
	s18 =	sshll.u32 s14, $0x5;
	s16 =	sand.u32 $0x7000, s16  }
0x5b: {  	s14 =	sadd.s32 $0x1, s14;
	s16 =	sor.u32 s17, s16;
	s17 =	sand.u32 $0x380, s18  }
0x5c: {  	s16 =	sor.u32 s17, s16  }
0x5d: {  	s15 =	sadd.s32 $0x400, s15;
	s17 =	sor.u32 $0x8000, s16  }
0x5e: {  	[tilespmem:s17], [sflag:$0x1] =	stream.indirect.gather [hbm4b:s3+s10], $0x1, s16, s10, $0xb8;
	[tilespmem:$0x10000] =	vst v63  }
0x5f: {  	_ =	swait.ge [sflag:s11], $0x80  }
0x60: {  	s14 =	simm.s32 $0xFF;
	[sflag:s11] =	ssyncset.done $0x0  }
.LBB2_6:
0x61: {  	p0 =	sne.s32 s14, $0x1;
	s14 =	sadd.s32 $0xFFFFFFFF, s14;
	[sflag:s11] =	ssyncadd.s32 $0xFFFFFF80  }
.Ltmp2:
0x62: {  	(pc) =	sbr.rel @p0 .LBB2_6-.Ltmp2, $3  }
0x63: {  	_ =	sdelay $0x1  }
0x64: {  	_ =	swait.ge [sflag:s11], $0x80  }
0x65: {  	[sflag:s11] =	ssyncset.done $0x0  }
0x66: {  	s13 =	sadd.s32 $0x1, s13  }
0x67: {  	p0 =	sne.s32 s13, s6  }
.Ltmp3:
0x68: {  	[sflag:s11] =	ssyncadd.s32 $0xFFFFFF80;
	(pc) =	sbr.rel @p0 .LBB2_1-.Ltmp3, $4  }
0x69: {  	[hbm4b:s5+s7] =	stream.strided.scatter [tilespmem:s12], [sflag:$0x2], $0x8000, s8, s7, $0x38;
	[tilespmem:$0x10000] =	vst v63  }
0x6a: {  	_ =	swait.ge [sflag:s9], $0x8000  }
0x6b: {  	[sflag:s9] =	ssyncset.done $0x0  }
0x6c: {  	[sflag:s9] =	ssyncadd.s32 $0xFFFF8000  }
0x6d: {  	_ =	sfence.sel $0x180000  }
0x6e: {  	[bflag:$0x0] =	sbarrier.arrive $0xFFFF  }
0x6f: {  	p0 =	sne.s32 s1, $0x0;
	_ =	strace $0x90000047  }
0x70: {  	s0 =	sadd.s32 @!p0 $0x100000, s0;
	[bflag:$0x2] =	sbarrier.arrive $0xFFFF  }
0x71: {  	[sflag:s0] =	ssyncadd.tile.s32 @!p0 $0x1;
	_ =	shalt  }
.Lfunc_end2:
_tile_overlayer_lowered:
.L_overlay_start_2:
0x72: {  	(tag) =	ssettag $0x2  }
0x73: {  	s0 =	rddreg [dreg:$0x0];
	s2 =	stileid.u32  }
0x74: {  	s1 =	rddreg [dreg:$0x1];
	p0 =	sne.s32 s2, $0x0  }
0x75: {  	s3 =	rddreg [dreg:$0x2];
	[bflag:$0x3] =	sbarrier.arrive $0xFFFF;
	s2 =	simm.s32 @!p0 $0x1C02  }
0x76: {  	[timem:s3], [sflag:s2] =	dma.local @!p0 [hbm:s0], s1  }
0x77: {  	s0 =	simm.s32 @!p0 $0x2  }
0x78: {  	_ =	swait.ge @!p0 [sflag:s0], s1  }
0x79: {  	s1 =	ssub.s32 @!p0 $0x0, s1;
	[sflag:s0] =	ssyncset.done @!p0 $0x0  }
0x7a: {  	[sflag:s0] =	ssyncadd.s32 @!p0 s1  }
0x7b: {  	[bflag:$0x3] =	sbarrier.arrive $0xFFFF  }
0x7c: {  	_ =	shalt  }

</sc_bundles>
